<compile_context>
chip_gen: v7x
topology: tpu7x:2x2x1
jax: 0.10.2.dev20260603
libtpu: 0.0.44.dev20260713+nightly
codegen_flags: <defaults>
</compile_context>

<pallas_src>
import functools
import math

import jax
import jax.numpy as jnp
from jax import lax
from jax.experimental import pallas as pl
from jax.experimental.pallas import tpu as pltpu
from jax.experimental.pallas import tpu_sc as plsc

_MODEL_DIM = 64
_VOCAB = 1000000
_BATCH = 16384
_SCALE = math.sqrt(_MODEL_DIM)

_info = plsc.get_sparse_core_info()
_NC = _info.num_cores
_NS = _info.num_subcores
_L = _info.num_lanes
_NW = _NC * _NS
_TCOL = 128
_NCOLS = (_VOCAB + _TCOL - 1) // _TCOL
_RCOLS = 4
_RW = _RCOLS * _TCOL
_NROUND = ((_NCOLS + _NW - 1) // _NW + _RCOLS - 1) // _RCOLS
_HITCAP = 704
_ROWCAP = 32
_XCHUNK = 2048
_YROWS = _BATCH + 1024
_SENTINEL = _NCOLS * _TCOL + 1

_mesh = plsc.VectorSubcoreMesh(core_axis_name="c", subcore_axis_name="s")


@functools.partial(
    pl.kernel,
    mesh=_mesh,
    compiler_params=pltpu.CompilerParams(needs_layout_passes=False),
    out_type=jax.ShapeDtypeStruct((_YROWS, _TCOL), jnp.float32),
    scratch_types=[
        pltpu.VMEM((2, _XCHUNK), jnp.int32),
        pltpu.VMEM((3 * _RCOLS, _MODEL_DIM, _TCOL), jnp.float32),
        pltpu.VMEM((_HITCAP + _L,), jnp.int32),
        pltpu.VMEM((_HITCAP + _L,), jnp.int32),
        pltpu.VMEM((2, _ROWCAP, _TCOL), jnp.float32),
        pltpu.VMEM((2, _ROWCAP), jnp.int32),
        pltpu.VMEM((1, _TCOL), jnp.float32),
        pltpu.SemaphoreType.DMA,
        pltpu.SemaphoreType.DMA,
        pltpu.SemaphoreType.DMA,
    ],
)
def _emb_sweep(x_hbm, wt_hbm, y_hbm, xc_v, tb, hv_v, hp_v, rows2, pos2,
               junk_v, semx, semf, sems):
    wid = lax.axis_index("s") * _NC + lax.axis_index("c")
    col_lo = wid * _NCOLS // _NW
    col_hi = (wid + 1) * _NCOLS // _NW
    lane = lax.iota(jnp.int32, _L)
    lane0 = lane == 0
    dump_base = _BATCH + wid * _ROWCAP

    def full(v):
        return jnp.full((_L,), v, jnp.int32)

    def fill_sent(i, c):
        hv_v[pl.ds(i * _L, _L)] = full(_SENTINEL)
        return c

    lax.fori_loop(0, (_HITCAP + _L) // _L, fill_sent, 0)

    def fetch(r):
        base = (r % 3) * _RCOLS
        for j in range(_RCOLS):
            q = jnp.minimum(col_lo + r * _RCOLS + j, _NCOLS - 1) * _TCOL
            pltpu.async_copy(
                wt_hbm.at[:, pl.ds(pl.multiple_of(q, _TCOL), _TCOL)],
                tb.at[base + j], semf)

    for i in range(2 * _ROWCAP):
        pltpu.async_copy(y_hbm.at[pl.ds(_BATCH + i, 1)], junk_v, sems)
    fetch(0)
    fetch(1)

    first_x = pltpu.async_copy(x_hbm.at[pl.ds(0, _XCHUNK)], xc_v.at[0], semx)
    first_x.wait()

    def scan_chunk(ch, cnt):
        nxt = jnp.minimum(ch + 1, _BATCH // _XCHUNK - 1)
        cp = pltpu.async_copy(
            x_hbm.at[pl.ds(nxt * _XCHUNK, _XCHUNK)], xc_v.at[(ch + 1) % 2],
            semx)

        def scan_vec(t, cnt2):
            v = xc_v[ch % 2, pl.ds(t * _L, _L)]
            c = lax.shift_right_logical(v, 7)
            mask = (c >= col_lo) & (c < col_hi)
            pos = full(ch * _XCHUNK + t * _L) + lane
            cc = jnp.minimum(cnt2, _HITCAP)
            plsc.store_compressed(hv_v.at[pl.ds(cc, _L)], v, mask=mask)
            plsc.store_compressed(hp_v.at[pl.ds(cc, _L)], pos, mask=mask)
            return cnt2 + plsc.all_reduce_population_count(mask)[0]

        cnt = lax.fori_loop(0, _XCHUNK // _L, scan_vec, cnt)
        cp.wait()
        return cnt

    cnt = lax.fori_loop(0, _BATCH // _XCHUNK, scan_chunk, 0)
    def repad(i, c):
        s = jnp.minimum(cnt + i * _L, _HITCAP)
        vtail = hv_v[pl.ds(s, _L)]
        hv_v[pl.ds(s, _L)] = jnp.where(lane + s >= cnt, full(_SENTINEL), vtail)
        return c

    repad(0, 0)

    nlvec = (_HITCAP + _L) // _L

    def sweep_round(r, carry):
        fetch(r + 2)
        rb = r % 2
        pltpu.make_async_copy(
            y_hbm.at[pl.ds(_BATCH, _ROWCAP)], rows2.at[rb], sems).wait()
        for _ in range(_RCOLS):
            pltpu.make_async_copy(
                wt_hbm.at[:, pl.ds(0, _TCOL)], tb.at[0], semf).wait()

        pos2[rb, pl.ds(0, _L)] = full(dump_base) + lane
        pos2[rb, pl.ds(_L, _L)] = full(dump_base + _L) + lane
        lo_r = col_lo + r * _RCOLS
        hi_r = jnp.minimum(lo_r + _RCOLS, col_hi)
        sbase = (r % 3) * _RCOLS

        def rescan(t, hw):
            hvv = hv_v[pl.ds(t * _L, _L)]
            cvv = lax.shift_right_logical(hvv, 7)
            mask = (cvv >= lo_r) & (cvv < hi_r)

            def has_hits(state):
                m, _ = state
                return plsc.all_reduce_population_count(m)[0] > 0

            def take_hit(state):
                m, hw2 = state
                l = plsc.all_reduce_ffs(m)[0]
                lv = full(l)
                sel = lane == lv
                v_l = jnp.sum(jnp.where(sel, hvv, 0))
                p_l = jnp.sum(jnp.where(sel, hp_v[pl.ds(t * _L, _L)], 0))
                hw_c = jnp.minimum(hw2, _ROWCAP - 1)
                plsc.store_scatter(pos2.at[rb], [full(hw_c)], full(p_l),
                                   mask=lane0)
                c_l = lax.shift_right_logical(v_l, 7)
                slotv = full(sbase + c_l - lo_r)
                bc = full(jnp.bitwise_and(v_l, _TCOL - 1))
                for f16 in range(_MODEL_DIM // _L):
                    fvec = lane + f16 * _L
                    vals = plsc.load_gather(tb, [slotv, fvec, bc]) * _SCALE
                    rows2[rb, hw_c, pl.ds(f16 * _L, _L)] = vals
                return m & (lane != lv), hw2 + 1

            _, hw = lax.while_loop(has_hits, take_hit, (mask, hw))
            return hw

        lax.fori_loop(0, nlvec, rescan, 0)
        pltpu.async_copy(rows2.at[rb], y_hbm.at[pos2.at[rb]], sems)
        return carry

    lax.fori_loop(0, _NROUND, sweep_round, 0)

    for _ in range(2 * _RCOLS):
        pltpu.make_async_copy(
            wt_hbm.at[:, pl.ds(0, _TCOL)], tb.at[0], semf).wait()
    pltpu.make_async_copy(
        y_hbm.at[pl.ds(_BATCH, _ROWCAP)], rows2.at[0], sems).wait()
    pltpu.make_async_copy(
        y_hbm.at[pl.ds(_BATCH, _ROWCAP)], rows2.at[1], sems).wait()


def kernel(x, W):
    y = _emb_sweep(x, W.T)
    return y[:_BATCH, :_MODEL_DIM]

# --- scband reference (transcript-rebuilt; emitter-appended) ---
"""Pipeline reference for scband-input-embedding-9062380995217 (READ-ONLY COPY).

The authoritative reference and input builder live on the scoring server;
editing this copy changes nothing except your own understanding.
"""

import math
import jax, jax.numpy as jnp
import numpy as np

MODEL_DIM = 64
VOCAB_SIZE = 1000000
BATCH = 16384

def setup_inputs(seed: int = 0) -> dict:
    key = jax.random.key(seed)
    k_idx, k_w = jax.random.split(key)
    x = jax.random.randint(k_idx, (BATCH,), 0, VOCAB_SIZE, dtype=jnp.int64 if jax.config.jax_enable_x64 else jnp.int32)
    # nn.Embedding default init: N(0, 1)
    W = jax.random.normal(k_w, (VOCAB_SIZE, MODEL_DIM), dtype=jnp.float32)
    return {"x": x, "W": W}

def reference(x, W):
    # embd(x) * sqrt(model_dim)
    emb = jnp.take(W, x, axis=0)
    return emb * math.sqrt(MODEL_DIM)

if __name__ == "__main__":
    import jax
    _d = setup_inputs()
    print(jax.jit(kernel)(*tuple(_d.values())))

</pallas_src>

<mosaic_0001>
#map = affine_map<(d0, d1) -> (0)>
#map1 = affine_map<(d0, d1) -> (0, 0)>
module attributes {stable_mosaic.version = 14 : i64} {
  func.func @_emb_sweep(%arg0: i32, %arg1: i32, %arg2: memref<16384xi32, #tpu.memory_space<hbm>>, %arg3: memref<64x1000000xf32, #tpu.memory_space<hbm>>, %arg4: memref<17408x128xf32, #tpu.memory_space<hbm>>, %arg5: memref<2x2048xi32, #tpu.memory_space<vmem>>, %arg6: memref<12x64x128xf32, #tpu.memory_space<vmem>>, %arg7: memref<720xi32, #tpu.memory_space<vmem>>, %arg8: memref<720xi32, #tpu.memory_space<vmem>>, %arg9: memref<2x32x128xf32, #tpu.memory_space<vmem>>, %arg10: memref<2x32xi32, #tpu.memory_space<vmem>>, %arg11: memref<1x128xf32, #tpu.memory_space<vmem>>, %arg12: memref<!tpu.dma_semaphore, #tpu.memory_space<semaphore_mem>>, %arg13: memref<!tpu.dma_semaphore, #tpu.memory_space<semaphore_mem>>, %arg14: memref<!tpu.dma_semaphore, #tpu.memory_space<semaphore_mem>>) attributes {dimension_semantics = [#tpu.dimension_semantics<core_parallel>, #tpu.dimension_semantics<subcore_parallel>], iteration_bounds = array<i64: 2, 16>, scalar_prefetch = 0 : i64, scratch_operands = 10 : i64, tpu.core_type = #tpu.core_type<sc_vector_subcore>, window_params = [{transform_indices = #map}, {transform_indices = #map1}, {transform_indices = #map1}]} {
    %mul3A = arith.constant 2 : i32
    %mul3A_0 = arith.muli %arg1, %mul3A : i32
    %add3A = arith.addi %mul3A_0, %arg0 : i32
    %mul3A_1 = arith.constant 7813 : i32
    %mul3A_2 = arith.muli %add3A, %mul3A_1 : i32
    %jit3A = arith.constant 32 : i32
    %div3A = arith.divsi %mul3A_2, %jit3A : i32
    %sign3A = arith.constant 0 : i32
    %sign3A_3 = arith.cmpi sgt, %mul3A_2, %sign3A : i32
    %sign3A_4 = arith.extui %sign3A_3 : i1 to i32
    %sign3A_5 = arith.constant 0 : i32
    %sign3A_6 = arith.cmpi slt, %mul3A_2, %sign3A_5 : i32
    %sign3A_7 = arith.extui %sign3A_6 : i1 to i32
    %sign3A_8 = arith.subi %sign3A_4, %sign3A_7 : i32
    %sign3A_9 = arith.constant 0 : i32
    %sign3A_10 = arith.cmpi sgt, %jit3A, %sign3A_9 : i32
    %sign3A_11 = arith.extui %sign3A_10 : i1 to i32
    %sign3A_12 = arith.constant 0 : i32
    %sign3A_13 = arith.cmpi slt, %jit3A, %sign3A_12 : i32
    %sign3A_14 = arith.extui %sign3A_13 : i1 to i32
    %sign3A_15 = arith.subi %sign3A_11, %sign3A_14 : i32
    %ne3A = arith.cmpi ne, %sign3A_8, %sign3A_15 : i32
    %rem3A = arith.remsi %mul3A_2, %jit3A : i32
    %ne3A_16 = arith.constant 0 : i32
    %ne3A_17 = arith.cmpi ne, %rem3A, %ne3A_16 : i32
    %and3A = arith.andi %ne3A, %ne3A_17 : i1
    %sub3A = arith.constant 1 : i32
    %sub3A_18 = arith.subi %div3A, %sub3A : i32
    %select_n3A = arith.select %and3A, %sub3A_18, %div3A : i32
    %add3A_19 = arith.constant 1 : i32
    %add3A_20 = arith.addi %add3A, %add3A_19 : i32
    %mul3A_21 = arith.constant 7813 : i32
    %mul3A_22 = arith.muli %add3A_20, %mul3A_21 : i32
    %jit3A_23 = arith.constant 32 : i32
    %div3A_24 = arith.divsi %mul3A_22, %jit3A_23 : i32
    %sign3A_25 = arith.constant 0 : i32
    %sign3A_26 = arith.cmpi sgt, %mul3A_22, %sign3A_25 : i32
    %sign3A_27 = arith.extui %sign3A_26 : i1 to i32
    %sign3A_28 = arith.constant 0 : i32
    %sign3A_29 = arith.cmpi slt, %mul3A_22, %sign3A_28 : i32
    %sign3A_30 = arith.extui %sign3A_29 : i1 to i32
    %sign3A_31 = arith.subi %sign3A_27, %sign3A_30 : i32
    %sign3A_32 = arith.constant 0 : i32
    %sign3A_33 = arith.cmpi sgt, %jit3A_23, %sign3A_32 : i32
    %sign3A_34 = arith.extui %sign3A_33 : i1 to i32
    %sign3A_35 = arith.constant 0 : i32
    %sign3A_36 = arith.cmpi slt, %jit3A_23, %sign3A_35 : i32
    %sign3A_37 = arith.extui %sign3A_36 : i1 to i32
    %sign3A_38 = arith.subi %sign3A_34, %sign3A_37 : i32
    %ne3A_39 = arith.cmpi ne, %sign3A_31, %sign3A_38 : i32
    %rem3A_40 = arith.remsi %mul3A_22, %jit3A_23 : i32
    %ne3A_41 = arith.constant 0 : i32
    %ne3A_42 = arith.cmpi ne, %rem3A_40, %ne3A_41 : i32
    %and3A_43 = arith.andi %ne3A_39, %ne3A_42 : i1
    %sub3A_44 = arith.constant 1 : i32
    %sub3A_45 = arith.subi %div3A_24, %sub3A_44 : i32
    %select_n3A_46 = arith.select %and3A_43, %sub3A_45, %div3A_24 : i32
    %iota3A = tpu.iota {dimensions = array<i32: 0>} : vector<16xi32>
    %eq3A = arith.constant 0 : i32
    %eq3A_47 = vector.broadcast %eq3A : i32 to vector<16xi32>
    %eq3A_48 = arith.cmpi eq, %iota3A, %eq3A_47 : vector<16xi32>
    %mul3A_49 = arith.constant 32 : i32
    %mul3A_50 = arith.muli %add3A, %mul3A_49 : i32
    %add3A_51 = arith.constant 16384 : i32
    %add3A_52 = arith.addi %add3A_51, %mul3A_50 : i32
    %scan3A = arith.constant 0 : i32
    %scan3A_53 = arith.constant 0 : i32
    %scan3A_54 = arith.constant 45 : i32
    %scan3A_55 = arith.addi %scan3A_53, %scan3A_54 : i32
    %scan3A_56 = arith.constant 1 : i32
    scf.for %scan3A_810 = %scan3A_53 to %scan3A_55 step %scan3A_56  : i32 {
      %broadcast_in_dim3A_811 = arith.constant 1000065 : i32
      %broadcast_in_dim3A_812 = vector.broadcast %broadcast_in_dim3A_811 : i32 to vector<16xi32>
      %mul3A_813 = arith.constant 16 : i32
      %mul3A_814 = arith.muli %scan3A_810, %mul3A_813 : i32
      %swap3A_815 = arith.index_cast %mul3A_814 : i32 to index
      %swap3A_816 = tpu.vector_load %arg7[%swap3A_815] {strides = array<i32>} : memref<720xi32, #tpu.memory_space<vmem>>, vector<16xi32>,
      tpu.vector_store %arg7[%swap3A_815], %broadcast_in_dim3A_812 {strides = array<i32>} : memref<720xi32, #tpu.memory_space<vmem>>, vector<16xi32>,
    }
    %scan3A_57 = arith.constant 45 : i32
    %dma_start3A = arith.constant 16384 : i32
    %dma_start3A_58 = arith.constant 0 : i32
    %dma_start3A_59 = tpu.memref_slice %arg4[%dma_start3A, %dma_start3A_58] : memref<17408x128xf32, #tpu.memory_space<hbm>> -> memref<1x128xf32, #tpu.memory_space<hbm>>
    %dma_start3A_60 = arith.constant 16384 : i32
    %dma_start3A_61 = arith.constant 0 : i32
    %dma_start3A_62 = tpu.memref_slice %arg4[%dma_start3A_60, %dma_start3A_61] : memref<17408x128xf32, #tpu.memory_space<hbm>> -> memref<1x128xf32, #tpu.memory_space<hbm>>
    tpu.enqueue_dma source(%dma_start3A_62 : memref<1x128xf32, #tpu.memory_space<hbm>>) target(%arg11 : memref<1x128xf32, #tpu.memory_space<vmem>>) target_semaphore(%arg14 : memref<!tpu.dma_semaphore, #tpu.memory_space<semaphore_mem>>)
    %dma_start3A_63 = arith.constant 16385 : i32
    %dma_start3A_64 = arith.constant 0 : i32
    %dma_start3A_65 = tpu.memref_slice %arg4[%dma_start3A_63, %dma_start3A_64] : memref<17408x128xf32, #tpu.memory_space<hbm>> -> memref<1x128xf32, #tpu.memory_space<hbm>>
    %dma_start3A_66 = arith.constant 16385 : i32
    %dma_start3A_67 = arith.constant 0 : i32
    %dma_start3A_68 = tpu.memref_slice %arg4[%dma_start3A_66, %dma_start3A_67] : memref<17408x128xf32, #tpu.memory_space<hbm>> -> memref<1x128xf32, #tpu.memory_space<hbm>>
    tpu.enqueue_dma source(%dma_start3A_68 : memref<1x128xf32, #tpu.memory_space<hbm>>) target(%arg11 : memref<1x128xf32, #tpu.memory_space<vmem>>) target_semaphore(%arg14 : memref<!tpu.dma_semaphore, #tpu.memory_space<semaphore_mem>>)
    %dma_start3A_69 = arith.constant 16386 : i32
    %dma_start3A_70 = arith.constant 0 : i32
    %dma_start3A_71 = tpu.memref_slice %arg4[%dma_start3A_69, %dma_start3A_70] : memref<17408x128xf32, #tpu.memory_space<hbm>> -> memref<1x128xf32, #tpu.memory_space<hbm>>
    %dma_start3A_72 = arith.constant 16386 : i32
    %dma_start3A_73 = arith.constant 0 : i32
    %dma_start3A_74 = tpu.memref_slice %arg4[%dma_start3A_72, %dma_start3A_73] : memref<17408x128xf32, #tpu.memory_space<hbm>> -> memref<1x128xf32, #tpu.memory_space<hbm>>
    tpu.enqueue_dma source(%dma_start3A_74 : memref<1x128xf32, #tpu.memory_space<hbm>>) target(%arg11 : memref<1x128xf32, #tpu.memory_space<vmem>>) target_semaphore(%arg14 : memref<!tpu.dma_semaphore, #tpu.memory_space<semaphore_mem>>)
    %dma_start3A_75 = arith.constant 16387 : i32
    %dma_start3A_76 = arith.constant 0 : i32
    %dma_start3A_77 = tpu.memref_slice %arg4[%dma_start3A_75, %dma_start3A_76] : memref<17408x128xf32, #tpu.memory_space<hbm>> -> memref<1x128xf32, #tpu.memory_space<hbm>>
    %dma_start3A_78 = arith.constant 16387 : i32
    %dma_start3A_79 = arith.constant 0 : i32
    %dma_start3A_80 = tpu.memref_slice %arg4[%dma_start3A_78, %dma_start3A_79] : memref<17408x128xf32, #tpu.memory_space<hbm>> -> memref<1x128xf32, #tpu.memory_space<hbm>>
    tpu.enqueue_dma source(%dma_start3A_80 : memref<1x128xf32, #tpu.memory_space<hbm>>) target(%arg11 : memref<1x128xf32, #tpu.memory_space<vmem>>) target_semaphore(%arg14 : memref<!tpu.dma_semaphore, #tpu.memory_space<semaphore_mem>>)
    %dma_start3A_81 = arith.constant 16388 : i32
    %dma_start3A_82 = arith.constant 0 : i32
    %dma_start3A_83 = tpu.memref_slice %arg4[%dma_start3A_81, %dma_start3A_82] : memref<17408x128xf32, #tpu.memory_space<hbm>> -> memref<1x128xf32, #tpu.memory_space<hbm>>
    %dma_start3A_84 = arith.constant 16388 : i32
    %dma_start3A_85 = arith.constant 0 : i32
    %dma_start3A_86 = tpu.memref_slice %arg4[%dma_start3A_84, %dma_start3A_85] : memref<17408x128xf32, #tpu.memory_space<hbm>> -> memref<1x128xf32, #tpu.memory_space<hbm>>
    tpu.enqueue_dma source(%dma_start3A_86 : memref<1x128xf32, #tpu.memory_space<hbm>>) target(%arg11 : memref<1x128xf32, #tpu.memory_space<vmem>>) target_semaphore(%arg14 : memref<!tpu.dma_semaphore, #tpu.memory_space<semaphore_mem>>)
    %dma_start3A_87 = arith.constant 16389 : i32
    %dma_start3A_88 = arith.constant 0 : i32
    %dma_start3A_89 = tpu.memref_slice %arg4[%dma_start3A_87, %dma_start3A_88] : memref<17408x128xf32, #tpu.memory_space<hbm>> -> memref<1x128xf32, #tpu.memory_space<hbm>>
    %dma_start3A_90 = arith.constant 16389 : i32
    %dma_start3A_91 = arith.constant 0 : i32
    %dma_start3A_92 = tpu.memref_slice %arg4[%dma_start3A_90, %dma_start3A_91] : memref<17408x128xf32, #tpu.memory_space<hbm>> -> memref<1x128xf32, #tpu.memory_space<hbm>>
    tpu.enqueue_dma source(%dma_start3A_92 : memref<1x128xf32, #tpu.memory_space<hbm>>) target(%arg11 : memref<1x128xf32, #tpu.memory_space<vmem>>) target_semaphore(%arg14 : memref<!tpu.dma_semaphore, #tpu.memory_space<semaphore_mem>>)
    %dma_start3A_93 = arith.constant 16390 : i32
    %dma_start3A_94 = arith.constant 0 : i32
    %dma_start3A_95 = tpu.memref_slice %arg4[%dma_start3A_93, %dma_start3A_94] : memref<17408x128xf32, #tpu.memory_space<hbm>> -> memref<1x128xf32, #tpu.memory_space<hbm>>
    %dma_start3A_96 = arith.constant 16390 : i32
    %dma_start3A_97 = arith.constant 0 : i32
    %dma_start3A_98 = tpu.memref_slice %arg4[%dma_start3A_96, %dma_start3A_97] : memref<17408x128xf32, #tpu.memory_space<hbm>> -> memref<1x128xf32, #tpu.memory_space<hbm>>
    tpu.enqueue_dma source(%dma_start3A_98 : memref<1x128xf32, #tpu.memory_space<hbm>>) target(%arg11 : memref<1x128xf32, #tpu.memory_space<vmem>>) target_semaphore(%arg14 : memref<!tpu.dma_semaphore, #tpu.memory_space<semaphore_mem>>)
    %dma_start3A_99 = arith.constant 16391 : i32
    %dma_start3A_100 = arith.constant 0 : i32
    %dma_start3A_101 = tpu.memref_slice %arg4[%dma_start3A_99, %dma_start3A_100] : memref<17408x128xf32, #tpu.memory_space<hbm>> -> memref<1x128xf32, #tpu.memory_space<hbm>>
    %dma_start3A_102 = arith.constant 16391 : i32
    %dma_start3A_103 = arith.constant 0 : i32
    %dma_start3A_104 = tpu.memref_slice %arg4[%dma_start3A_102, %dma_start3A_103] : memref<17408x128xf32, #tpu.memory_space<hbm>> -> memref<1x128xf32, #tpu.memory_space<hbm>>
    tpu.enqueue_dma source(%dma_start3A_104 : memref<1x128xf32, #tpu.memory_space<hbm>>) target(%arg11 : memref<1x128xf32, #tpu.memory_space<vmem>>) target_semaphore(%arg14 : memref<!tpu.dma_semaphore, #tpu.memory_space<semaphore_mem>>)
    %dma_start3A_105 = arith.constant 16392 : i32
    %dma_start3A_106 = arith.constant 0 : i32
    %dma_start3A_107 = tpu.memref_slice %arg4[%dma_start3A_105, %dma_start3A_106] : memref<17408x128xf32, #tpu.memory_space<hbm>> -> memref<1x128xf32, #tpu.memory_space<hbm>>
    %dma_start3A_108 = arith.constant 16392 : i32
    %dma_start3A_109 = arith.constant 0 : i32
    %dma_start3A_110 = tpu.memref_slice %arg4[%dma_start3A_108, %dma_start3A_109] : memref<17408x128xf32, #tpu.memory_space<hbm>> -> memref<1x128xf32, #tpu.memory_space<hbm>>
    tpu.enqueue_dma source(%dma_start3A_110 : memref<1x128xf32, #tpu.memory_space<hbm>>) target(%arg11 : memref<1x128xf32, #tpu.memory_space<vmem>>) target_semaphore(%arg14 : memref<!tpu.dma_semaphore, #tpu.memory_space<semaphore_mem>>)
    %dma_start3A_111 = arith.constant 16393 : i32
    %dma_start3A_112 = arith.constant 0 : i32
    %dma_start3A_113 = tpu.memref_slice %arg4[%dma_start3A_111, %dma_start3A_112] : memref<17408x128xf32, #tpu.memory_space<hbm>> -> memref<1x128xf32, #tpu.memory_space<hbm>>
    %dma_start3A_114 = arith.constant 16393 : i32
    %dma_start3A_115 = arith.constant 0 : i32
    %dma_start3A_116 = tpu.memref_slice %arg4[%dma_start3A_114, %dma_start3A_115] : memref<17408x128xf32, #tpu.memory_space<hbm>> -> memref<1x128xf32, #tpu.memory_space<hbm>>
    tpu.enqueue_dma source(%dma_start3A_116 : memref<1x128xf32, #tpu.memory_space<hbm>>) target(%arg11 : memref<1x128xf32, #tpu.memory_space<vmem>>) target_semaphore(%arg14 : memref<!tpu.dma_semaphore, #tpu.memory_space<semaphore_mem>>)
    %dma_start3A_117 = arith.constant 16394 : i32
    %dma_start3A_118 = arith.constant 0 : i32
    %dma_start3A_119 = tpu.memref_slice %arg4[%dma_start3A_117, %dma_start3A_118] : memref<17408x128xf32, #tpu.memory_space<hbm>> -> memref<1x128xf32, #tpu.memory_space<hbm>>
    %dma_start3A_120 = arith.constant 16394 : i32
    %dma_start3A_121 = arith.constant 0 : i32
    %dma_start3A_122 = tpu.memref_slice %arg4[%dma_start3A_120, %dma_start3A_121] : memref<17408x128xf32, #tpu.memory_space<hbm>> -> memref<1x128xf32, #tpu.memory_space<hbm>>
    tpu.enqueue_dma source(%dma_start3A_122 : memref<1x128xf32, #tpu.memory_space<hbm>>) target(%arg11 : memref<1x128xf32, #tpu.memory_space<vmem>>) target_semaphore(%arg14 : memref<!tpu.dma_semaphore, #tpu.memory_space<semaphore_mem>>)
    %dma_start3A_123 = arith.constant 16395 : i32
    %dma_start3A_124 = arith.constant 0 : i32
    %dma_start3A_125 = tpu.memref_slice %arg4[%dma_start3A_123, %dma_start3A_124] : memref<17408x128xf32, #tpu.memory_space<hbm>> -> memref<1x128xf32, #tpu.memory_space<hbm>>
    %dma_start3A_126 = arith.constant 16395 : i32
    %dma_start3A_127 = arith.constant 0 : i32
    %dma_start3A_128 = tpu.memref_slice %arg4[%dma_start3A_126, %dma_start3A_127] : memref<17408x128xf32, #tpu.memory_space<hbm>> -> memref<1x128xf32, #tpu.memory_space<hbm>>
    tpu.enqueue_dma source(%dma_start3A_128 : memref<1x128xf32, #tpu.memory_space<hbm>>) target(%arg11 : memref<1x128xf32, #tpu.memory_space<vmem>>) target_semaphore(%arg14 : memref<!tpu.dma_semaphore, #tpu.memory_space<semaphore_mem>>)
    %dma_start3A_129 = arith.constant 16396 : i32
    %dma_start3A_130 = arith.constant 0 : i32
    %dma_start3A_131 = tpu.memref_slice %arg4[%dma_start3A_129, %dma_start3A_130] : memref<17408x128xf32, #tpu.memory_space<hbm>> -> memref<1x128xf32, #tpu.memory_space<hbm>>
    %dma_start3A_132 = arith.constant 16396 : i32
    %dma_start3A_133 = arith.constant 0 : i32
    %dma_start3A_134 = tpu.memref_slice %arg4[%dma_start3A_132, %dma_start3A_133] : memref<17408x128xf32, #tpu.memory_space<hbm>> -> memref<1x128xf32, #tpu.memory_space<hbm>>
    tpu.enqueue_dma source(%dma_start3A_134 : memref<1x128xf32, #tpu.memory_space<hbm>>) target(%arg11 : memref<1x128xf32, #tpu.memory_space<vmem>>) target_semaphore(%arg14 : memref<!tpu.dma_semaphore, #tpu.memory_space<semaphore_mem>>)
    %dma_start3A_135 = arith.constant 16397 : i32
    %dma_start3A_136 = arith.constant 0 : i32
    %dma_start3A_137 = tpu.memref_slice %arg4[%dma_start3A_135, %dma_start3A_136] : memref<17408x128xf32, #tpu.memory_space<hbm>> -> memref<1x128xf32, #tpu.memory_space<hbm>>
    %dma_start3A_138 = arith.constant 16397 : i32
    %dma_start3A_139 = arith.constant 0 : i32
    %dma_start3A_140 = tpu.memref_slice %arg4[%dma_start3A_138, %dma_start3A_139] : memref<17408x128xf32, #tpu.memory_space<hbm>> -> memref<1x128xf32, #tpu.memory_space<hbm>>
    tpu.enqueue_dma source(%dma_start3A_140 : memref<1x128xf32, #tpu.memory_space<hbm>>) target(%arg11 : memref<1x128xf32, #tpu.memory_space<vmem>>) target_semaphore(%arg14 : memref<!tpu.dma_semaphore, #tpu.memory_space<semaphore_mem>>)
    %dma_start3A_141 = arith.constant 16398 : i32
    %dma_start3A_142 = arith.constant 0 : i32
    %dma_start3A_143 = tpu.memref_slice %arg4[%dma_start3A_141, %dma_start3A_142] : memref<17408x128xf32, #tpu.memory_space<hbm>> -> memref<1x128xf32, #tpu.memory_space<hbm>>
    %dma_start3A_144 = arith.constant 16398 : i32
    %dma_start3A_145 = arith.constant 0 : i32
    %dma_start3A_146 = tpu.memref_slice %arg4[%dma_start3A_144, %dma_start3A_145] : memref<17408x128xf32, #tpu.memory_space<hbm>> -> memref<1x128xf32, #tpu.memory_space<hbm>>
    tpu.enqueue_dma source(%dma_start3A_146 : memref<1x128xf32, #tpu.memory_space<hbm>>) target(%arg11 : memref<1x128xf32, #tpu.memory_space<vmem>>) target_semaphore(%arg14 : memref<!tpu.dma_semaphore, #tpu.memory_space<semaphore_mem>>)
    %dma_start3A_147 = arith.constant 16399 : i32
    %dma_start3A_148 = arith.constant 0 : i32
    %dma_start3A_149 = tpu.memref_slice %arg4[%dma_start3A_147, %dma_start3A_148] : memref<17408x128xf32, #tpu.memory_space<hbm>> -> memref<1x128xf32, #tpu.memory_space<hbm>>
    %dma_start3A_150 = arith.constant 16399 : i32
    %dma_start3A_151 = arith.constant 0 : i32
    %dma_start3A_152 = tpu.memref_slice %arg4[%dma_start3A_150, %dma_start3A_151] : memref<17408x128xf32, #tpu.memory_space<hbm>> -> memref<1x128xf32, #tpu.memory_space<hbm>>
    tpu.enqueue_dma source(%dma_start3A_152 : memref<1x128xf32, #tpu.memory_space<hbm>>) target(%arg11 : memref<1x128xf32, #tpu.memory_space<vmem>>) target_semaphore(%arg14 : memref<!tpu.dma_semaphore, #tpu.memory_space<semaphore_mem>>)
    %dma_start3A_153 = arith.constant 16400 : i32
    %dma_start3A_154 = arith.constant 0 : i32
    %dma_start3A_155 = tpu.memref_slice %arg4[%dma_start3A_153, %dma_start3A_154] : memref<17408x128xf32, #tpu.memory_space<hbm>> -> memref<1x128xf32, #tpu.memory_space<hbm>>
    %dma_start3A_156 = arith.constant 16400 : i32
    %dma_start3A_157 = arith.constant 0 : i32
    %dma_start3A_158 = tpu.memref_slice %arg4[%dma_start3A_156, %dma_start3A_157] : memref<17408x128xf32, #tpu.memory_space<hbm>> -> memref<1x128xf32, #tpu.memory_space<hbm>>
    tpu.enqueue_dma source(%dma_start3A_158 : memref<1x128xf32, #tpu.memory_space<hbm>>) target(%arg11 : memref<1x128xf32, #tpu.memory_space<vmem>>) target_semaphore(%arg14 : memref<!tpu.dma_semaphore, #tpu.memory_space<semaphore_mem>>)
    %dma_start3A_159 = arith.constant 16401 : i32
    %dma_start3A_160 = arith.constant 0 : i32
    %dma_start3A_161 = tpu.memref_slice %arg4[%dma_start3A_159, %dma_start3A_160] : memref<17408x128xf32, #tpu.memory_space<hbm>> -> memref<1x128xf32, #tpu.memory_space<hbm>>
    %dma_start3A_162 = arith.constant 16401 : i32
    %dma_start3A_163 = arith.constant 0 : i32
    %dma_start3A_164 = tpu.memref_slice %arg4[%dma_start3A_162, %dma_start3A_163] : memref<17408x128xf32, #tpu.memory_space<hbm>> -> memref<1x128xf32, #tpu.memory_space<hbm>>
    tpu.enqueue_dma source(%dma_start3A_164 : memref<1x128xf32, #tpu.memory_space<hbm>>) target(%arg11 : memref<1x128xf32, #tpu.memory_space<vmem>>) target_semaphore(%arg14 : memref<!tpu.dma_semaphore, #tpu.memory_space<semaphore_mem>>)
    %dma_start3A_165 = arith.constant 16402 : i32
    %dma_start3A_166 = arith.constant 0 : i32
    %dma_start3A_167 = tpu.memref_slice %arg4[%dma_start3A_165, %dma_start3A_166] : memref<17408x128xf32, #tpu.memory_space<hbm>> -> memref<1x128xf32, #tpu.memory_space<hbm>>
    %dma_start3A_168 = arith.constant 16402 : i32
    %dma_start3A_169 = arith.constant 0 : i32
    %dma_start3A_170 = tpu.memref_slice %arg4[%dma_start3A_168, %dma_start3A_169] : memref<17408x128xf32, #tpu.memory_space<hbm>> -> memref<1x128xf32, #tpu.memory_space<hbm>>
    tpu.enqueue_dma source(%dma_start3A_170 : memref<1x128xf32, #tpu.memory_space<hbm>>) target(%arg11 : memref<1x128xf32, #tpu.memory_space<vmem>>) target_semaphore(%arg14 : memref<!tpu.dma_semaphore, #tpu.memory_space<semaphore_mem>>)
    %dma_start3A_171 = arith.constant 16403 : i32
    %dma_start3A_172 = arith.constant 0 : i32
    %dma_start3A_173 = tpu.memref_slice %arg4[%dma_start3A_171, %dma_start3A_172] : memref<17408x128xf32, #tpu.memory_space<hbm>> -> memref<1x128xf32, #tpu.memory_space<hbm>>
    %dma_start3A_174 = arith.constant 16403 : i32
    %dma_start3A_175 = arith.constant 0 : i32
    %dma_start3A_176 = tpu.memref_slice %arg4[%dma_start3A_174, %dma_start3A_175] : memref<17408x128xf32, #tpu.memory_space<hbm>> -> memref<1x128xf32, #tpu.memory_space<hbm>>
    tpu.enqueue_dma source(%dma_start3A_176 : memref<1x128xf32, #tpu.memory_space<hbm>>) target(%arg11 : memref<1x128xf32, #tpu.memory_space<vmem>>) target_semaphore(%arg14 : memref<!tpu.dma_semaphore, #tpu.memory_space<semaphore_mem>>)
    %dma_start3A_177 = arith.constant 16404 : i32
    %dma_start3A_178 = arith.constant 0 : i32
    %dma_start3A_179 = tpu.memref_slice %arg4[%dma_start3A_177, %dma_start3A_178] : memref<17408x128xf32, #tpu.memory_space<hbm>> -> memref<1x128xf32, #tpu.memory_space<hbm>>
    %dma_start3A_180 = arith.constant 16404 : i32
    %dma_start3A_181 = arith.constant 0 : i32
    %dma_start3A_182 = tpu.memref_slice %arg4[%dma_start3A_180, %dma_start3A_181] : memref<17408x128xf32, #tpu.memory_space<hbm>> -> memref<1x128xf32, #tpu.memory_space<hbm>>
    tpu.enqueue_dma source(%dma_start3A_182 : memref<1x128xf32, #tpu.memory_space<hbm>>) target(%arg11 : memref<1x128xf32, #tpu.memory_space<vmem>>) target_semaphore(%arg14 : memref<!tpu.dma_semaphore, #tpu.memory_space<semaphore_mem>>)
    %dma_start3A_183 = arith.constant 16405 : i32
    %dma_start3A_184 = arith.constant 0 : i32
    %dma_start3A_185 = tpu.memref_slice %arg4[%dma_start3A_183, %dma_start3A_184] : memref<17408x128xf32, #tpu.memory_space<hbm>> -> memref<1x128xf32, #tpu.memory_space<hbm>>
    %dma_start3A_186 = arith.constant 16405 : i32
    %dma_start3A_187 = arith.constant 0 : i32
    %dma_start3A_188 = tpu.memref_slice %arg4[%dma_start3A_186, %dma_start3A_187] : memref<17408x128xf32, #tpu.memory_space<hbm>> -> memref<1x128xf32, #tpu.memory_space<hbm>>
    tpu.enqueue_dma source(%dma_start3A_188 : memref<1x128xf32, #tpu.memory_space<hbm>>) target(%arg11 : memref<1x128xf32, #tpu.memory_space<vmem>>) target_semaphore(%arg14 : memref<!tpu.dma_semaphore, #tpu.memory_space<semaphore_mem>>)
    %dma_start3A_189 = arith.constant 16406 : i32
    %dma_start3A_190 = arith.constant 0 : i32
    %dma_start3A_191 = tpu.memref_slice %arg4[%dma_start3A_189, %dma_start3A_190] : memref<17408x128xf32, #tpu.memory_space<hbm>> -> memref<1x128xf32, #tpu.memory_space<hbm>>
    %dma_start3A_192 = arith.constant 16406 : i32
    %dma_start3A_193 = arith.constant 0 : i32
    %dma_start3A_194 = tpu.memref_slice %arg4[%dma_start3A_192, %dma_start3A_193] : memref<17408x128xf32, #tpu.memory_space<hbm>> -> memref<1x128xf32, #tpu.memory_space<hbm>>
    tpu.enqueue_dma source(%dma_start3A_194 : memref<1x128xf32, #tpu.memory_space<hbm>>) target(%arg11 : memref<1x128xf32, #tpu.memory_space<vmem>>) target_semaphore(%arg14 : memref<!tpu.dma_semaphore, #tpu.memory_space<semaphore_mem>>)
    %dma_start3A_195 = arith.constant 16407 : i32
    %dma_start3A_196 = arith.constant 0 : i32
    %dma_start3A_197 = tpu.memref_slice %arg4[%dma_start3A_195, %dma_start3A_196] : memref<17408x128xf32, #tpu.memory_space<hbm>> -> memref<1x128xf32, #tpu.memory_space<hbm>>
    %dma_start3A_198 = arith.constant 16407 : i32
    %dma_start3A_199 = arith.constant 0 : i32
    %dma_start3A_200 = tpu.memref_slice %arg4[%dma_start3A_198, %dma_start3A_199] : memref<17408x128xf32, #tpu.memory_space<hbm>> -> memref<1x128xf32, #tpu.memory_space<hbm>>
    tpu.enqueue_dma source(%dma_start3A_200 : memref<1x128xf32, #tpu.memory_space<hbm>>) target(%arg11 : memref<1x128xf32, #tpu.memory_space<vmem>>) target_semaphore(%arg14 : memref<!tpu.dma_semaphore, #tpu.memory_space<semaphore_mem>>)
    %dma_start3A_201 = arith.constant 16408 : i32
    %dma_start3A_202 = arith.constant 0 : i32
    %dma_start3A_203 = tpu.memref_slice %arg4[%dma_start3A_201, %dma_start3A_202] : memref<17408x128xf32, #tpu.memory_space<hbm>> -> memref<1x128xf32, #tpu.memory_space<hbm>>
    %dma_start3A_204 = arith.constant 16408 : i32
    %dma_start3A_205 = arith.constant 0 : i32
    %dma_start3A_206 = tpu.memref_slice %arg4[%dma_start3A_204, %dma_start3A_205] : memref<17408x128xf32, #tpu.memory_space<hbm>> -> memref<1x128xf32, #tpu.memory_space<hbm>>
    tpu.enqueue_dma source(%dma_start3A_206 : memref<1x128xf32, #tpu.memory_space<hbm>>) target(%arg11 : memref<1x128xf32, #tpu.memory_space<vmem>>) target_semaphore(%arg14 : memref<!tpu.dma_semaphore, #tpu.memory_space<semaphore_mem>>)
    %dma_start3A_207 = arith.constant 16409 : i32
    %dma_start3A_208 = arith.constant 0 : i32
    %dma_start3A_209 = tpu.memref_slice %arg4[%dma_start3A_207, %dma_start3A_208] : memref<17408x128xf32, #tpu.memory_space<hbm>> -> memref<1x128xf32, #tpu.memory_space<hbm>>
    %dma_start3A_210 = arith.constant 16409 : i32
    %dma_start3A_211 = arith.constant 0 : i32
    %dma_start3A_212 = tpu.memref_slice %arg4[%dma_start3A_210, %dma_start3A_211] : memref<17408x128xf32, #tpu.memory_space<hbm>> -> memref<1x128xf32, #tpu.memory_space<hbm>>
    tpu.enqueue_dma source(%dma_start3A_212 : memref<1x128xf32, #tpu.memory_space<hbm>>) target(%arg11 : memref<1x128xf32, #tpu.memory_space<vmem>>) target_semaphore(%arg14 : memref<!tpu.dma_semaphore, #tpu.memory_space<semaphore_mem>>)
    %dma_start3A_213 = arith.constant 16410 : i32
    %dma_start3A_214 = arith.constant 0 : i32
    %dma_start3A_215 = tpu.memref_slice %arg4[%dma_start3A_213, %dma_start3A_214] : memref<17408x128xf32, #tpu.memory_space<hbm>> -> memref<1x128xf32, #tpu.memory_space<hbm>>
    %dma_start3A_216 = arith.constant 16410 : i32
    %dma_start3A_217 = arith.constant 0 : i32
    %dma_start3A_218 = tpu.memref_slice %arg4[%dma_start3A_216, %dma_start3A_217] : memref<17408x128xf32, #tpu.memory_space<hbm>> -> memref<1x128xf32, #tpu.memory_space<hbm>>
    tpu.enqueue_dma source(%dma_start3A_218 : memref<1x128xf32, #tpu.memory_space<hbm>>) target(%arg11 : memref<1x128xf32, #tpu.memory_space<vmem>>) target_semaphore(%arg14 : memref<!tpu.dma_semaphore, #tpu.memory_space<semaphore_mem>>)
    %dma_start3A_219 = arith.constant 16411 : i32
    %dma_start3A_220 = arith.constant 0 : i32
    %dma_start3A_221 = tpu.memref_slice %arg4[%dma_start3A_219, %dma_start3A_220] : memref<17408x128xf32, #tpu.memory_space<hbm>> -> memref<1x128xf32, #tpu.memory_space<hbm>>
    %dma_start3A_222 = arith.constant 16411 : i32
    %dma_start3A_223 = arith.constant 0 : i32
    %dma_start3A_224 = tpu.memref_slice %arg4[%dma_start3A_222, %dma_start3A_223] : memref<17408x128xf32, #tpu.memory_space<hbm>> -> memref<1x128xf32, #tpu.memory_space<hbm>>
    tpu.enqueue_dma source(%dma_start3A_224 : memref<1x128xf32, #tpu.memory_space<hbm>>) target(%arg11 : memref<1x128xf32, #tpu.memory_space<vmem>>) target_semaphore(%arg14 : memref<!tpu.dma_semaphore, #tpu.memory_space<semaphore_mem>>)
    %dma_start3A_225 = arith.constant 16412 : i32
    %dma_start3A_226 = arith.constant 0 : i32
    %dma_start3A_227 = tpu.memref_slice %arg4[%dma_start3A_225, %dma_start3A_226] : memref<17408x128xf32, #tpu.memory_space<hbm>> -> memref<1x128xf32, #tpu.memory_space<hbm>>
    %dma_start3A_228 = arith.constant 16412 : i32
    %dma_start3A_229 = arith.constant 0 : i32
    %dma_start3A_230 = tpu.memref_slice %arg4[%dma_start3A_228, %dma_start3A_229] : memref<17408x128xf32, #tpu.memory_space<hbm>> -> memref<1x128xf32, #tpu.memory_space<hbm>>
    tpu.enqueue_dma source(%dma_start3A_230 : memref<1x128xf32, #tpu.memory_space<hbm>>) target(%arg11 : memref<1x128xf32, #tpu.memory_space<vmem>>) target_semaphore(%arg14 : memref<!tpu.dma_semaphore, #tpu.memory_space<semaphore_mem>>)
    %dma_start3A_231 = arith.constant 16413 : i32
    %dma_start3A_232 = arith.constant 0 : i32
    %dma_start3A_233 = tpu.memref_slice %arg4[%dma_start3A_231, %dma_start3A_232] : memref<17408x128xf32, #tpu.memory_space<hbm>> -> memref<1x128xf32, #tpu.memory_space<hbm>>
    %dma_start3A_234 = arith.constant 16413 : i32
    %dma_start3A_235 = arith.constant 0 : i32
    %dma_start3A_236 = tpu.memref_slice %arg4[%dma_start3A_234, %dma_start3A_235] : memref<17408x128xf32, #tpu.memory_space<hbm>> -> memref<1x128xf32, #tpu.memory_space<hbm>>
    tpu.enqueue_dma source(%dma_start3A_236 : memref<1x128xf32, #tpu.memory_space<hbm>>) target(%arg11 : memref<1x128xf32, #tpu.memory_space<vmem>>) target_semaphore(%arg14 : memref<!tpu.dma_semaphore, #tpu.memory_space<semaphore_mem>>)
    %dma_start3A_237 = arith.constant 16414 : i32
    %dma_start3A_238 = arith.constant 0 : i32
    %dma_start3A_239 = tpu.memref_slice %arg4[%dma_start3A_237, %dma_start3A_238] : memref<17408x128xf32, #tpu.memory_space<hbm>> -> memref<1x128xf32, #tpu.memory_space<hbm>>
    %dma_start3A_240 = arith.constant 16414 : i32
    %dma_start3A_241 = arith.constant 0 : i32
    %dma_start3A_242 = tpu.memref_slice %arg4[%dma_start3A_240, %dma_start3A_241] : memref<17408x128xf32, #tpu.memory_space<hbm>> -> memref<1x128xf32, #tpu.memory_space<hbm>>
    tpu.enqueue_dma source(%dma_start3A_242 : memref<1x128xf32, #tpu.memory_space<hbm>>) target(%arg11 : memref<1x128xf32, #tpu.memory_space<vmem>>) target_semaphore(%arg14 : memref<!tpu.dma_semaphore, #tpu.memory_space<semaphore_mem>>)
    %dma_start3A_243 = arith.constant 16415 : i32
    %dma_start3A_244 = arith.constant 0 : i32
    %dma_start3A_245 = tpu.memref_slice %arg4[%dma_start3A_243, %dma_start3A_244] : memref<17408x128xf32, #tpu.memory_space<hbm>> -> memref<1x128xf32, #tpu.memory_space<hbm>>
    %dma_start3A_246 = arith.constant 16415 : i32
    %dma_start3A_247 = arith.constant 0 : i32
    %dma_start3A_248 = tpu.memref_slice %arg4[%dma_start3A_246, %dma_start3A_247] : memref<17408x128xf32, #tpu.memory_space<hbm>> -> memref<1x128xf32, #tpu.memory_space<hbm>>
    tpu.enqueue_dma source(%dma_start3A_248 : memref<1x128xf32, #tpu.memory_space<hbm>>) target(%arg11 : memref<1x128xf32, #tpu.memory_space<vmem>>) target_semaphore(%arg14 : memref<!tpu.dma_semaphore, #tpu.memory_space<semaphore_mem>>)
    %dma_start3A_249 = arith.constant 16416 : i32
    %dma_start3A_250 = arith.constant 0 : i32
    %dma_start3A_251 = tpu.memref_slice %arg4[%dma_start3A_249, %dma_start3A_250] : memref<17408x128xf32, #tpu.memory_space<hbm>> -> memref<1x128xf32, #tpu.memory_space<hbm>>
    %dma_start3A_252 = arith.constant 16416 : i32
    %dma_start3A_253 = arith.constant 0 : i32
    %dma_start3A_254 = tpu.memref_slice %arg4[%dma_start3A_252, %dma_start3A_253] : memref<17408x128xf32, #tpu.memory_space<hbm>> -> memref<1x128xf32, #tpu.memory_space<hbm>>
    tpu.enqueue_dma source(%dma_start3A_254 : memref<1x128xf32, #tpu.memory_space<hbm>>) target(%arg11 : memref<1x128xf32, #tpu.memory_space<vmem>>) target_semaphore(%arg14 : memref<!tpu.dma_semaphore, #tpu.memory_space<semaphore_mem>>)
    %dma_start3A_255 = arith.constant 16417 : i32
    %dma_start3A_256 = arith.constant 0 : i32
    %dma_start3A_257 = tpu.memref_slice %arg4[%dma_start3A_255, %dma_start3A_256] : memref<17408x128xf32, #tpu.memory_space<hbm>> -> memref<1x128xf32, #tpu.memory_space<hbm>>
    %dma_start3A_258 = arith.constant 16417 : i32
    %dma_start3A_259 = arith.constant 0 : i32
    %dma_start3A_260 = tpu.memref_slice %arg4[%dma_start3A_258, %dma_start3A_259] : memref<17408x128xf32, #tpu.memory_space<hbm>> -> memref<1x128xf32, #tpu.memory_space<hbm>>
    tpu.enqueue_dma source(%dma_start3A_260 : memref<1x128xf32, #tpu.memory_space<hbm>>) target(%arg11 : memref<1x128xf32, #tpu.memory_space<vmem>>) target_semaphore(%arg14 : memref<!tpu.dma_semaphore, #tpu.memory_space<semaphore_mem>>)
    %dma_start3A_261 = arith.constant 16418 : i32
    %dma_start3A_262 = arith.constant 0 : i32
    %dma_start3A_263 = tpu.memref_slice %arg4[%dma_start3A_261, %dma_start3A_262] : memref<17408x128xf32, #tpu.memory_space<hbm>> -> memref<1x128xf32, #tpu.memory_space<hbm>>
    %dma_start3A_264 = arith.constant 16418 : i32
    %dma_start3A_265 = arith.constant 0 : i32
    %dma_start3A_266 = tpu.memref_slice %arg4[%dma_start3A_264, %dma_start3A_265] : memref<17408x128xf32, #tpu.memory_space<hbm>> -> memref<1x128xf32, #tpu.memory_space<hbm>>
    tpu.enqueue_dma source(%dma_start3A_266 : memref<1x128xf32, #tpu.memory_space<hbm>>) target(%arg11 : memref<1x128xf32, #tpu.memory_space<vmem>>) target_semaphore(%arg14 : memref<!tpu.dma_semaphore, #tpu.memory_space<semaphore_mem>>)
    %dma_start3A_267 = arith.constant 16419 : i32
    %dma_start3A_268 = arith.constant 0 : i32
    %dma_start3A_269 = tpu.memref_slice %arg4[%dma_start3A_267, %dma_start3A_268] : memref<17408x128xf32, #tpu.memory_space<hbm>> -> memref<1x128xf32, #tpu.memory_space<hbm>>
    %dma_start3A_270 = arith.constant 16419 : i32
    %dma_start3A_271 = arith.constant 0 : i32
    %dma_start3A_272 = tpu.memref_slice %arg4[%dma_start3A_270, %dma_start3A_271] : memref<17408x128xf32, #tpu.memory_space<hbm>> -> memref<1x128xf32, #tpu.memory_space<hbm>>
    tpu.enqueue_dma source(%dma_start3A_272 : memref<1x128xf32, #tpu.memory_space<hbm>>) target(%arg11 : memref<1x128xf32, #tpu.memory_space<vmem>>) target_semaphore(%arg14 : memref<!tpu.dma_semaphore, #tpu.memory_space<semaphore_mem>>)
    %dma_start3A_273 = arith.constant 16420 : i32
    %dma_start3A_274 = arith.constant 0 : i32
    %dma_start3A_275 = tpu.memref_slice %arg4[%dma_start3A_273, %dma_start3A_274] : memref<17408x128xf32, #tpu.memory_space<hbm>> -> memref<1x128xf32, #tpu.memory_space<hbm>>
    %dma_start3A_276 = arith.constant 16420 : i32
    %dma_start3A_277 = arith.constant 0 : i32
    %dma_start3A_278 = tpu.memref_slice %arg4[%dma_start3A_276, %dma_start3A_277] : memref<17408x128xf32, #tpu.memory_space<hbm>> -> memref<1x128xf32, #tpu.memory_space<hbm>>
    tpu.enqueue_dma source(%dma_start3A_278 : memref<1x128xf32, #tpu.memory_space<hbm>>) target(%arg11 : memref<1x128xf32, #tpu.memory_space<vmem>>) target_semaphore(%arg14 : memref<!tpu.dma_semaphore, #tpu.memory_space<semaphore_mem>>)
    %dma_start3A_279 = arith.constant 16421 : i32
    %dma_start3A_280 = arith.constant 0 : i32
    %dma_start3A_281 = tpu.memref_slice %arg4[%dma_start3A_279, %dma_start3A_280] : memref<17408x128xf32, #tpu.memory_space<hbm>> -> memref<1x128xf32, #tpu.memory_space<hbm>>
    %dma_start3A_282 = arith.constant 16421 : i32
    %dma_start3A_283 = arith.constant 0 : i32
    %dma_start3A_284 = tpu.memref_slice %arg4[%dma_start3A_282, %dma_start3A_283] : memref<17408x128xf32, #tpu.memory_space<hbm>> -> memref<1x128xf32, #tpu.memory_space<hbm>>
    tpu.enqueue_dma source(%dma_start3A_284 : memref<1x128xf32, #tpu.memory_space<hbm>>) target(%arg11 : memref<1x128xf32, #tpu.memory_space<vmem>>) target_semaphore(%arg14 : memref<!tpu.dma_semaphore, #tpu.memory_space<semaphore_mem>>)
    %dma_start3A_285 = arith.constant 16422 : i32
    %dma_start3A_286 = arith.constant 0 : i32
    %dma_start3A_287 = tpu.memref_slice %arg4[%dma_start3A_285, %dma_start3A_286] : memref<17408x128xf32, #tpu.memory_space<hbm>> -> memref<1x128xf32, #tpu.memory_space<hbm>>
    %dma_start3A_288 = arith.constant 16422 : i32
    %dma_start3A_289 = arith.constant 0 : i32
    %dma_start3A_290 = tpu.memref_slice %arg4[%dma_start3A_288, %dma_start3A_289] : memref<17408x128xf32, #tpu.memory_space<hbm>> -> memref<1x128xf32, #tpu.memory_space<hbm>>
    tpu.enqueue_dma source(%dma_start3A_290 : memref<1x128xf32, #tpu.memory_space<hbm>>) target(%arg11 : memref<1x128xf32, #tpu.memory_space<vmem>>) target_semaphore(%arg14 : memref<!tpu.dma_semaphore, #tpu.memory_space<semaphore_mem>>)
    %dma_start3A_291 = arith.constant 16423 : i32
    %dma_start3A_292 = arith.constant 0 : i32
    %dma_start3A_293 = tpu.memref_slice %arg4[%dma_start3A_291, %dma_start3A_292] : memref<17408x128xf32, #tpu.memory_space<hbm>> -> memref<1x128xf32, #tpu.memory_space<hbm>>
    %dma_start3A_294 = arith.constant 16423 : i32
    %dma_start3A_295 = arith.constant 0 : i32
    %dma_start3A_296 = tpu.memref_slice %arg4[%dma_start3A_294, %dma_start3A_295] : memref<17408x128xf32, #tpu.memory_space<hbm>> -> memref<1x128xf32, #tpu.memory_space<hbm>>
    tpu.enqueue_dma source(%dma_start3A_296 : memref<1x128xf32, #tpu.memory_space<hbm>>) target(%arg11 : memref<1x128xf32, #tpu.memory_space<vmem>>) target_semaphore(%arg14 : memref<!tpu.dma_semaphore, #tpu.memory_space<semaphore_mem>>)
    %dma_start3A_297 = arith.constant 16424 : i32
    %dma_start3A_298 = arith.constant 0 : i32
    %dma_start3A_299 = tpu.memref_slice %arg4[%dma_start3A_297, %dma_start3A_298] : memref<17408x128xf32, #tpu.memory_space<hbm>> -> memref<1x128xf32, #tpu.memory_space<hbm>>
    %dma_start3A_300 = arith.constant 16424 : i32
    %dma_start3A_301 = arith.constant 0 : i32
    %dma_start3A_302 = tpu.memref_slice %arg4[%dma_start3A_300, %dma_start3A_301] : memref<17408x128xf32, #tpu.memory_space<hbm>> -> memref<1x128xf32, #tpu.memory_space<hbm>>
    tpu.enqueue_dma source(%dma_start3A_302 : memref<1x128xf32, #tpu.memory_space<hbm>>) target(%arg11 : memref<1x128xf32, #tpu.memory_space<vmem>>) target_semaphore(%arg14 : memref<!tpu.dma_semaphore, #tpu.memory_space<semaphore_mem>>)
    %dma_start3A_303 = arith.constant 16425 : i32
    %dma_start3A_304 = arith.constant 0 : i32
    %dma_start3A_305 = tpu.memref_slice %arg4[%dma_start3A_303, %dma_start3A_304] : memref<17408x128xf32, #tpu.memory_space<hbm>> -> memref<1x128xf32, #tpu.memory_space<hbm>>
    %dma_start3A_306 = arith.constant 16425 : i32
    %dma_start3A_307 = arith.constant 0 : i32
    %dma_start3A_308 = tpu.memref_slice %arg4[%dma_start3A_306, %dma_start3A_307] : memref<17408x128xf32, #tpu.memory_space<hbm>> -> memref<1x128xf32, #tpu.memory_space<hbm>>
    tpu.enqueue_dma source(%dma_start3A_308 : memref<1x128xf32, #tpu.memory_space<hbm>>) target(%arg11 : memref<1x128xf32, #tpu.memory_space<vmem>>) target_semaphore(%arg14 : memref<!tpu.dma_semaphore, #tpu.memory_space<semaphore_mem>>)
    %dma_start3A_309 = arith.constant 16426 : i32
    %dma_start3A_310 = arith.constant 0 : i32
    %dma_start3A_311 = tpu.memref_slice %arg4[%dma_start3A_309, %dma_start3A_310] : memref<17408x128xf32, #tpu.memory_space<hbm>> -> memref<1x128xf32, #tpu.memory_space<hbm>>
    %dma_start3A_312 = arith.constant 16426 : i32
    %dma_start3A_313 = arith.constant 0 : i32
    %dma_start3A_314 = tpu.memref_slice %arg4[%dma_start3A_312, %dma_start3A_313] : memref<17408x128xf32, #tpu.memory_space<hbm>> -> memref<1x128xf32, #tpu.memory_space<hbm>>
    tpu.enqueue_dma source(%dma_start3A_314 : memref<1x128xf32, #tpu.memory_space<hbm>>) target(%arg11 : memref<1x128xf32, #tpu.memory_space<vmem>>) target_semaphore(%arg14 : memref<!tpu.dma_semaphore, #tpu.memory_space<semaphore_mem>>)
    %dma_start3A_315 = arith.constant 16427 : i32
    %dma_start3A_316 = arith.constant 0 : i32
    %dma_start3A_317 = tpu.memref_slice %arg4[%dma_start3A_315, %dma_start3A_316] : memref<17408x128xf32, #tpu.memory_space<hbm>> -> memref<1x128xf32, #tpu.memory_space<hbm>>
    %dma_start3A_318 = arith.constant 16427 : i32
    %dma_start3A_319 = arith.constant 0 : i32
    %dma_start3A_320 = tpu.memref_slice %arg4[%dma_start3A_318, %dma_start3A_319] : memref<17408x128xf32, #tpu.memory_space<hbm>> -> memref<1x128xf32, #tpu.memory_space<hbm>>
    tpu.enqueue_dma source(%dma_start3A_320 : memref<1x128xf32, #tpu.memory_space<hbm>>) target(%arg11 : memref<1x128xf32, #tpu.memory_space<vmem>>) target_semaphore(%arg14 : memref<!tpu.dma_semaphore, #tpu.memory_space<semaphore_mem>>)
    %dma_start3A_321 = arith.constant 16428 : i32
    %dma_start3A_322 = arith.constant 0 : i32
    %dma_start3A_323 = tpu.memref_slice %arg4[%dma_start3A_321, %dma_start3A_322] : memref<17408x128xf32, #tpu.memory_space<hbm>> -> memref<1x128xf32, #tpu.memory_space<hbm>>
    %dma_start3A_324 = arith.constant 16428 : i32
    %dma_start3A_325 = arith.constant 0 : i32
    %dma_start3A_326 = tpu.memref_slice %arg4[%dma_start3A_324, %dma_start3A_325] : memref<17408x128xf32, #tpu.memory_space<hbm>> -> memref<1x128xf32, #tpu.memory_space<hbm>>
    tpu.enqueue_dma source(%dma_start3A_326 : memref<1x128xf32, #tpu.memory_space<hbm>>) target(%arg11 : memref<1x128xf32, #tpu.memory_space<vmem>>) target_semaphore(%arg14 : memref<!tpu.dma_semaphore, #tpu.memory_space<semaphore_mem>>)
    %dma_start3A_327 = arith.constant 16429 : i32
    %dma_start3A_328 = arith.constant 0 : i32
    %dma_start3A_329 = tpu.memref_slice %arg4[%dma_start3A_327, %dma_start3A_328] : memref<17408x128xf32, #tpu.memory_space<hbm>> -> memref<1x128xf32, #tpu.memory_space<hbm>>
    %dma_start3A_330 = arith.constant 16429 : i32
    %dma_start3A_331 = arith.constant 0 : i32
    %dma_start3A_332 = tpu.memref_slice %arg4[%dma_start3A_330, %dma_start3A_331] : memref<17408x128xf32, #tpu.memory_space<hbm>> -> memref<1x128xf32, #tpu.memory_space<hbm>>
    tpu.enqueue_dma source(%dma_start3A_332 : memref<1x128xf32, #tpu.memory_space<hbm>>) target(%arg11 : memref<1x128xf32, #tpu.memory_space<vmem>>) target_semaphore(%arg14 : memref<!tpu.dma_semaphore, #tpu.memory_space<semaphore_mem>>)
    %dma_start3A_333 = arith.constant 16430 : i32
    %dma_start3A_334 = arith.constant 0 : i32
    %dma_start3A_335 = tpu.memref_slice %arg4[%dma_start3A_333, %dma_start3A_334] : memref<17408x128xf32, #tpu.memory_space<hbm>> -> memref<1x128xf32, #tpu.memory_space<hbm>>
    %dma_start3A_336 = arith.constant 16430 : i32
    %dma_start3A_337 = arith.constant 0 : i32
    %dma_start3A_338 = tpu.memref_slice %arg4[%dma_start3A_336, %dma_start3A_337] : memref<17408x128xf32, #tpu.memory_space<hbm>> -> memref<1x128xf32, #tpu.memory_space<hbm>>
    tpu.enqueue_dma source(%dma_start3A_338 : memref<1x128xf32, #tpu.memory_space<hbm>>) target(%arg11 : memref<1x128xf32, #tpu.memory_space<vmem>>) target_semaphore(%arg14 : memref<!tpu.dma_semaphore, #tpu.memory_space<semaphore_mem>>)
    %dma_start3A_339 = arith.constant 16431 : i32
    %dma_start3A_340 = arith.constant 0 : i32
    %dma_start3A_341 = tpu.memref_slice %arg4[%dma_start3A_339, %dma_start3A_340] : memref<17408x128xf32, #tpu.memory_space<hbm>> -> memref<1x128xf32, #tpu.memory_space<hbm>>
    %dma_start3A_342 = arith.constant 16431 : i32
    %dma_start3A_343 = arith.constant 0 : i32
    %dma_start3A_344 = tpu.memref_slice %arg4[%dma_start3A_342, %dma_start3A_343] : memref<17408x128xf32, #tpu.memory_space<hbm>> -> memref<1x128xf32, #tpu.memory_space<hbm>>
    tpu.enqueue_dma source(%dma_start3A_344 : memref<1x128xf32, #tpu.memory_space<hbm>>) target(%arg11 : memref<1x128xf32, #tpu.memory_space<vmem>>) target_semaphore(%arg14 : memref<!tpu.dma_semaphore, #tpu.memory_space<semaphore_mem>>)
    %dma_start3A_345 = arith.constant 16432 : i32
    %dma_start3A_346 = arith.constant 0 : i32
    %dma_start3A_347 = tpu.memref_slice %arg4[%dma_start3A_345, %dma_start3A_346] : memref<17408x128xf32, #tpu.memory_space<hbm>> -> memref<1x128xf32, #tpu.memory_space<hbm>>
    %dma_start3A_348 = arith.constant 16432 : i32
    %dma_start3A_349 = arith.constant 0 : i32
    %dma_start3A_350 = tpu.memref_slice %arg4[%dma_start3A_348, %dma_start3A_349] : memref<17408x128xf32, #tpu.memory_space<hbm>> -> memref<1x128xf32, #tpu.memory_space<hbm>>
    tpu.enqueue_dma source(%dma_start3A_350 : memref<1x128xf32, #tpu.memory_space<hbm>>) target(%arg11 : memref<1x128xf32, #tpu.memory_space<vmem>>) target_semaphore(%arg14 : memref<!tpu.dma_semaphore, #tpu.memory_space<semaphore_mem>>)
    %dma_start3A_351 = arith.constant 16433 : i32
    %dma_start3A_352 = arith.constant 0 : i32
    %dma_start3A_353 = tpu.memref_slice %arg4[%dma_start3A_351, %dma_start3A_352] : memref<17408x128xf32, #tpu.memory_space<hbm>> -> memref<1x128xf32, #tpu.memory_space<hbm>>
    %dma_start3A_354 = arith.constant 16433 : i32
    %dma_start3A_355 = arith.constant 0 : i32
    %dma_start3A_356 = tpu.memref_slice %arg4[%dma_start3A_354, %dma_start3A_355] : memref<17408x128xf32, #tpu.memory_space<hbm>> -> memref<1x128xf32, #tpu.memory_space<hbm>>
    tpu.enqueue_dma source(%dma_start3A_356 : memref<1x128xf32, #tpu.memory_space<hbm>>) target(%arg11 : memref<1x128xf32, #tpu.memory_space<vmem>>) target_semaphore(%arg14 : memref<!tpu.dma_semaphore, #tpu.memory_space<semaphore_mem>>)
    %dma_start3A_357 = arith.constant 16434 : i32
    %dma_start3A_358 = arith.constant 0 : i32
    %dma_start3A_359 = tpu.memref_slice %arg4[%dma_start3A_357, %dma_start3A_358] : memref<17408x128xf32, #tpu.memory_space<hbm>> -> memref<1x128xf32, #tpu.memory_space<hbm>>
    %dma_start3A_360 = arith.constant 16434 : i32
    %dma_start3A_361 = arith.constant 0 : i32
    %dma_start3A_362 = tpu.memref_slice %arg4[%dma_start3A_360, %dma_start3A_361] : memref<17408x128xf32, #tpu.memory_space<hbm>> -> memref<1x128xf32, #tpu.memory_space<hbm>>
    tpu.enqueue_dma source(%dma_start3A_362 : memref<1x128xf32, #tpu.memory_space<hbm>>) target(%arg11 : memref<1x128xf32, #tpu.memory_space<vmem>>) target_semaphore(%arg14 : memref<!tpu.dma_semaphore, #tpu.memory_space<semaphore_mem>>)
    %dma_start3A_363 = arith.constant 16435 : i32
    %dma_start3A_364 = arith.constant 0 : i32
    %dma_start3A_365 = tpu.memref_slice %arg4[%dma_start3A_363, %dma_start3A_364] : memref<17408x128xf32, #tpu.memory_space<hbm>> -> memref<1x128xf32, #tpu.memory_space<hbm>>
    %dma_start3A_366 = arith.constant 16435 : i32
    %dma_start3A_367 = arith.constant 0 : i32
    %dma_start3A_368 = tpu.memref_slice %arg4[%dma_start3A_366, %dma_start3A_367] : memref<17408x128xf32, #tpu.memory_space<hbm>> -> memref<1x128xf32, #tpu.memory_space<hbm>>
    tpu.enqueue_dma source(%dma_start3A_368 : memref<1x128xf32, #tpu.memory_space<hbm>>) target(%arg11 : memref<1x128xf32, #tpu.memory_space<vmem>>) target_semaphore(%arg14 : memref<!tpu.dma_semaphore, #tpu.memory_space<semaphore_mem>>)
    %dma_start3A_369 = arith.constant 16436 : i32
    %dma_start3A_370 = arith.constant 0 : i32
    %dma_start3A_371 = tpu.memref_slice %arg4[%dma_start3A_369, %dma_start3A_370] : memref<17408x128xf32, #tpu.memory_space<hbm>> -> memref<1x128xf32, #tpu.memory_space<hbm>>
    %dma_start3A_372 = arith.constant 16436 : i32
    %dma_start3A_373 = arith.constant 0 : i32
    %dma_start3A_374 = tpu.memref_slice %arg4[%dma_start3A_372, %dma_start3A_373] : memref<17408x128xf32, #tpu.memory_space<hbm>> -> memref<1x128xf32, #tpu.memory_space<hbm>>
    tpu.enqueue_dma source(%dma_start3A_374 : memref<1x128xf32, #tpu.memory_space<hbm>>) target(%arg11 : memref<1x128xf32, #tpu.memory_space<vmem>>) target_semaphore(%arg14 : memref<!tpu.dma_semaphore, #tpu.memory_space<semaphore_mem>>)
    %dma_start3A_375 = arith.constant 16437 : i32
    %dma_start3A_376 = arith.constant 0 : i32
    %dma_start3A_377 = tpu.memref_slice %arg4[%dma_start3A_375, %dma_start3A_376] : memref<17408x128xf32, #tpu.memory_space<hbm>> -> memref<1x128xf32, #tpu.memory_space<hbm>>
    %dma_start3A_378 = arith.constant 16437 : i32
    %dma_start3A_379 = arith.constant 0 : i32
    %dma_start3A_380 = tpu.memref_slice %arg4[%dma_start3A_378, %dma_start3A_379] : memref<17408x128xf32, #tpu.memory_space<hbm>> -> memref<1x128xf32, #tpu.memory_space<hbm>>
    tpu.enqueue_dma source(%dma_start3A_380 : memref<1x128xf32, #tpu.memory_space<hbm>>) target(%arg11 : memref<1x128xf32, #tpu.memory_space<vmem>>) target_semaphore(%arg14 : memref<!tpu.dma_semaphore, #tpu.memory_space<semaphore_mem>>)
    %dma_start3A_381 = arith.constant 16438 : i32
    %dma_start3A_382 = arith.constant 0 : i32
    %dma_start3A_383 = tpu.memref_slice %arg4[%dma_start3A_381, %dma_start3A_382] : memref<17408x128xf32, #tpu.memory_space<hbm>> -> memref<1x128xf32, #tpu.memory_space<hbm>>
    %dma_start3A_384 = arith.constant 16438 : i32
    %dma_start3A_385 = arith.constant 0 : i32
    %dma_start3A_386 = tpu.memref_slice %arg4[%dma_start3A_384, %dma_start3A_385] : memref<17408x128xf32, #tpu.memory_space<hbm>> -> memref<1x128xf32, #tpu.memory_space<hbm>>
    tpu.enqueue_dma source(%dma_start3A_386 : memref<1x128xf32, #tpu.memory_space<hbm>>) target(%arg11 : memref<1x128xf32, #tpu.memory_space<vmem>>) target_semaphore(%arg14 : memref<!tpu.dma_semaphore, #tpu.memory_space<semaphore_mem>>)
    %dma_start3A_387 = arith.constant 16439 : i32
    %dma_start3A_388 = arith.constant 0 : i32
    %dma_start3A_389 = tpu.memref_slice %arg4[%dma_start3A_387, %dma_start3A_388] : memref<17408x128xf32, #tpu.memory_space<hbm>> -> memref<1x128xf32, #tpu.memory_space<hbm>>
    %dma_start3A_390 = arith.constant 16439 : i32
    %dma_start3A_391 = arith.constant 0 : i32
    %dma_start3A_392 = tpu.memref_slice %arg4[%dma_start3A_390, %dma_start3A_391] : memref<17408x128xf32, #tpu.memory_space<hbm>> -> memref<1x128xf32, #tpu.memory_space<hbm>>
    tpu.enqueue_dma source(%dma_start3A_392 : memref<1x128xf32, #tpu.memory_space<hbm>>) target(%arg11 : memref<1x128xf32, #tpu.memory_space<vmem>>) target_semaphore(%arg14 : memref<!tpu.dma_semaphore, #tpu.memory_space<semaphore_mem>>)
    %dma_start3A_393 = arith.constant 16440 : i32
    %dma_start3A_394 = arith.constant 0 : i32
    %dma_start3A_395 = tpu.memref_slice %arg4[%dma_start3A_393, %dma_start3A_394] : memref<17408x128xf32, #tpu.memory_space<hbm>> -> memref<1x128xf32, #tpu.memory_space<hbm>>
    %dma_start3A_396 = arith.constant 16440 : i32
    %dma_start3A_397 = arith.constant 0 : i32
    %dma_start3A_398 = tpu.memref_slice %arg4[%dma_start3A_396, %dma_start3A_397] : memref<17408x128xf32, #tpu.memory_space<hbm>> -> memref<1x128xf32, #tpu.memory_space<hbm>>
    tpu.enqueue_dma source(%dma_start3A_398 : memref<1x128xf32, #tpu.memory_space<hbm>>) target(%arg11 : memref<1x128xf32, #tpu.memory_space<vmem>>) target_semaphore(%arg14 : memref<!tpu.dma_semaphore, #tpu.memory_space<semaphore_mem>>)
    %dma_start3A_399 = arith.constant 16441 : i32
    %dma_start3A_400 = arith.constant 0 : i32
    %dma_start3A_401 = tpu.memref_slice %arg4[%dma_start3A_399, %dma_start3A_400] : memref<17408x128xf32, #tpu.memory_space<hbm>> -> memref<1x128xf32, #tpu.memory_space<hbm>>
    %dma_start3A_402 = arith.constant 16441 : i32
    %dma_start3A_403 = arith.constant 0 : i32
    %dma_start3A_404 = tpu.memref_slice %arg4[%dma_start3A_402, %dma_start3A_403] : memref<17408x128xf32, #tpu.memory_space<hbm>> -> memref<1x128xf32, #tpu.memory_space<hbm>>
    tpu.enqueue_dma source(%dma_start3A_404 : memref<1x128xf32, #tpu.memory_space<hbm>>) target(%arg11 : memref<1x128xf32, #tpu.memory_space<vmem>>) target_semaphore(%arg14 : memref<!tpu.dma_semaphore, #tpu.memory_space<semaphore_mem>>)
    %dma_start3A_405 = arith.constant 16442 : i32
    %dma_start3A_406 = arith.constant 0 : i32
    %dma_start3A_407 = tpu.memref_slice %arg4[%dma_start3A_405, %dma_start3A_406] : memref<17408x128xf32, #tpu.memory_space<hbm>> -> memref<1x128xf32, #tpu.memory_space<hbm>>
    %dma_start3A_408 = arith.constant 16442 : i32
    %dma_start3A_409 = arith.constant 0 : i32
    %dma_start3A_410 = tpu.memref_slice %arg4[%dma_start3A_408, %dma_start3A_409] : memref<17408x128xf32, #tpu.memory_space<hbm>> -> memref<1x128xf32, #tpu.memory_space<hbm>>
    tpu.enqueue_dma source(%dma_start3A_410 : memref<1x128xf32, #tpu.memory_space<hbm>>) target(%arg11 : memref<1x128xf32, #tpu.memory_space<vmem>>) target_semaphore(%arg14 : memref<!tpu.dma_semaphore, #tpu.memory_space<semaphore_mem>>)
    %dma_start3A_411 = arith.constant 16443 : i32
    %dma_start3A_412 = arith.constant 0 : i32
    %dma_start3A_413 = tpu.memref_slice %arg4[%dma_start3A_411, %dma_start3A_412] : memref<17408x128xf32, #tpu.memory_space<hbm>> -> memref<1x128xf32, #tpu.memory_space<hbm>>
    %dma_start3A_414 = arith.constant 16443 : i32
    %dma_start3A_415 = arith.constant 0 : i32
    %dma_start3A_416 = tpu.memref_slice %arg4[%dma_start3A_414, %dma_start3A_415] : memref<17408x128xf32, #tpu.memory_space<hbm>> -> memref<1x128xf32, #tpu.memory_space<hbm>>
    tpu.enqueue_dma source(%dma_start3A_416 : memref<1x128xf32, #tpu.memory_space<hbm>>) target(%arg11 : memref<1x128xf32, #tpu.memory_space<vmem>>) target_semaphore(%arg14 : memref<!tpu.dma_semaphore, #tpu.memory_space<semaphore_mem>>)
    %dma_start3A_417 = arith.constant 16444 : i32
    %dma_start3A_418 = arith.constant 0 : i32
    %dma_start3A_419 = tpu.memref_slice %arg4[%dma_start3A_417, %dma_start3A_418] : memref<17408x128xf32, #tpu.memory_space<hbm>> -> memref<1x128xf32, #tpu.memory_space<hbm>>
    %dma_start3A_420 = arith.constant 16444 : i32
    %dma_start3A_421 = arith.constant 0 : i32
    %dma_start3A_422 = tpu.memref_slice %arg4[%dma_start3A_420, %dma_start3A_421] : memref<17408x128xf32, #tpu.memory_space<hbm>> -> memref<1x128xf32, #tpu.memory_space<hbm>>
    tpu.enqueue_dma source(%dma_start3A_422 : memref<1x128xf32, #tpu.memory_space<hbm>>) target(%arg11 : memref<1x128xf32, #tpu.memory_space<vmem>>) target_semaphore(%arg14 : memref<!tpu.dma_semaphore, #tpu.memory_space<semaphore_mem>>)
    %dma_start3A_423 = arith.constant 16445 : i32
    %dma_start3A_424 = arith.constant 0 : i32
    %dma_start3A_425 = tpu.memref_slice %arg4[%dma_start3A_423, %dma_start3A_424] : memref<17408x128xf32, #tpu.memory_space<hbm>> -> memref<1x128xf32, #tpu.memory_space<hbm>>
    %dma_start3A_426 = arith.constant 16445 : i32
    %dma_start3A_427 = arith.constant 0 : i32
    %dma_start3A_428 = tpu.memref_slice %arg4[%dma_start3A_426, %dma_start3A_427] : memref<17408x128xf32, #tpu.memory_space<hbm>> -> memref<1x128xf32, #tpu.memory_space<hbm>>
    tpu.enqueue_dma source(%dma_start3A_428 : memref<1x128xf32, #tpu.memory_space<hbm>>) target(%arg11 : memref<1x128xf32, #tpu.memory_space<vmem>>) target_semaphore(%arg14 : memref<!tpu.dma_semaphore, #tpu.memory_space<semaphore_mem>>)
    %dma_start3A_429 = arith.constant 16446 : i32
    %dma_start3A_430 = arith.constant 0 : i32
    %dma_start3A_431 = tpu.memref_slice %arg4[%dma_start3A_429, %dma_start3A_430] : memref<17408x128xf32, #tpu.memory_space<hbm>> -> memref<1x128xf32, #tpu.memory_space<hbm>>
    %dma_start3A_432 = arith.constant 16446 : i32
    %dma_start3A_433 = arith.constant 0 : i32
    %dma_start3A_434 = tpu.memref_slice %arg4[%dma_start3A_432, %dma_start3A_433] : memref<17408x128xf32, #tpu.memory_space<hbm>> -> memref<1x128xf32, #tpu.memory_space<hbm>>
    tpu.enqueue_dma source(%dma_start3A_434 : memref<1x128xf32, #tpu.memory_space<hbm>>) target(%arg11 : memref<1x128xf32, #tpu.memory_space<vmem>>) target_semaphore(%arg14 : memref<!tpu.dma_semaphore, #tpu.memory_space<semaphore_mem>>)
    %dma_start3A_435 = arith.constant 16447 : i32
    %dma_start3A_436 = arith.constant 0 : i32
    %dma_start3A_437 = tpu.memref_slice %arg4[%dma_start3A_435, %dma_start3A_436] : memref<17408x128xf32, #tpu.memory_space<hbm>> -> memref<1x128xf32, #tpu.memory_space<hbm>>
    %dma_start3A_438 = arith.constant 16447 : i32
    %dma_start3A_439 = arith.constant 0 : i32
    %dma_start3A_440 = tpu.memref_slice %arg4[%dma_start3A_438, %dma_start3A_439] : memref<17408x128xf32, #tpu.memory_space<hbm>> -> memref<1x128xf32, #tpu.memory_space<hbm>>
    tpu.enqueue_dma source(%dma_start3A_440 : memref<1x128xf32, #tpu.memory_space<hbm>>) target(%arg11 : memref<1x128xf32, #tpu.memory_space<vmem>>) target_semaphore(%arg14 : memref<!tpu.dma_semaphore, #tpu.memory_space<semaphore_mem>>)
    %add3A_441 = arith.constant 0 : i32
    %add3A_442 = arith.addi %select_n3A, %add3A_441 : i32
    %add3A_443 = arith.constant 0 : i32
    %add3A_444 = arith.addi %add3A_442, %add3A_443 : i32
    %min3A = arith.constant 7812 : i32
    %min3A_445 = arith.minsi %add3A_444, %min3A : i32
    %mul3A_446 = arith.constant 128 : i32
    %mul3A_447 = arith.muli %min3A_445, %mul3A_446 : i32
    %multiple_of3A = tpu.assume_multiple %mul3A_447, 128 : i32
    %dma_start3A_448 = arith.constant 0 : i32
    %dma_start3A_449 = arith.constant 0 : i32
    %dma_start3A_450 = arith.constant 0 : i32
    %dma_start3A_451 = tpu.memref_slice %arg6[%dma_start3A_448, %dma_start3A_449, %dma_start3A_450] : memref<12x64x128xf32, #tpu.memory_space<vmem>> -> memref<1x64x128xf32, #tpu.memory_space<vmem>>
    %dma_start3A_452 = tpu.memref_squeeze %dma_start3A_451 : memref<1x64x128xf32, #tpu.memory_space<vmem>> -> memref<64x128xf32, #tpu.memory_space<vmem>>
    %dma_start3A_453 = arith.constant 0 : i32
    %dma_start3A_454 = tpu.memref_slice %arg3[%dma_start3A_453, %multiple_of3A] : memref<64x1000000xf32, #tpu.memory_space<hbm>> -> memref<64x128xf32, #tpu.memory_space<hbm>>
    %dma_start3A_455 = arith.constant 0 : i32
    %dma_start3A_456 = arith.constant 0 : i32
    %dma_start3A_457 = tpu.memref_slice %arg6[%dma_start3A_448, %dma_start3A_455, %dma_start3A_456] : memref<12x64x128xf32, #tpu.memory_space<vmem>> -> memref<1x64x128xf32, #tpu.memory_space<vmem>>
    %dma_start3A_458 = tpu.memref_squeeze %dma_start3A_457 : memref<1x64x128xf32, #tpu.memory_space<vmem>> -> memref<64x128xf32, #tpu.memory_space<vmem>>
    %dma_start3A_459 = arith.constant 0 : i32
    %dma_start3A_460 = tpu.memref_slice %arg3[%dma_start3A_459, %multiple_of3A] : memref<64x1000000xf32, #tpu.memory_space<hbm>> -> memref<64x128xf32, #tpu.memory_space<hbm>>
    tpu.enqueue_dma source(%dma_start3A_460 : memref<64x128xf32, #tpu.memory_space<hbm>>) target(%dma_start3A_458 : memref<64x128xf32, #tpu.memory_space<vmem>>) target_semaphore(%arg13 : memref<!tpu.dma_semaphore, #tpu.memory_space<semaphore_mem>>)
    %add3A_461 = arith.constant 0 : i32
    %add3A_462 = arith.addi %select_n3A, %add3A_461 : i32
    %add3A_463 = arith.constant 1 : i32
    %add3A_464 = arith.addi %add3A_462, %add3A_463 : i32
    %min3A_465 = arith.constant 7812 : i32
    %min3A_466 = arith.minsi %add3A_464, %min3A_465 : i32
    %mul3A_467 = arith.constant 128 : i32
    %mul3A_468 = arith.muli %min3A_466, %mul3A_467 : i32
    %multiple_of3A_469 = tpu.assume_multiple %mul3A_468, 128 : i32
    %dma_start3A_470 = arith.constant 1 : i32
    %dma_start3A_471 = arith.constant 0 : i32
    %dma_start3A_472 = arith.constant 0 : i32
    %dma_start3A_473 = tpu.memref_slice %arg6[%dma_start3A_470, %dma_start3A_471, %dma_start3A_472] : memref<12x64x128xf32, #tpu.memory_space<vmem>> -> memref<1x64x128xf32, #tpu.memory_space<vmem>>
    %dma_start3A_474 = tpu.memref_squeeze %dma_start3A_473 : memref<1x64x128xf32, #tpu.memory_space<vmem>> -> memref<64x128xf32, #tpu.memory_space<vmem>>
    %dma_start3A_475 = arith.constant 0 : i32
    %dma_start3A_476 = tpu.memref_slice %arg3[%dma_start3A_475, %multiple_of3A_469] : memref<64x1000000xf32, #tpu.memory_space<hbm>> -> memref<64x128xf32, #tpu.memory_space<hbm>>
    %dma_start3A_477 = arith.constant 0 : i32
    %dma_start3A_478 = arith.constant 0 : i32
    %dma_start3A_479 = tpu.memref_slice %arg6[%dma_start3A_470, %dma_start3A_477, %dma_start3A_478] : memref<12x64x128xf32, #tpu.memory_space<vmem>> -> memref<1x64x128xf32, #tpu.memory_space<vmem>>
    %dma_start3A_480 = tpu.memref_squeeze %dma_start3A_479 : memref<1x64x128xf32, #tpu.memory_space<vmem>> -> memref<64x128xf32, #tpu.memory_space<vmem>>
    %dma_start3A_481 = arith.constant 0 : i32
    %dma_start3A_482 = tpu.memref_slice %arg3[%dma_start3A_481, %multiple_of3A_469] : memref<64x1000000xf32, #tpu.memory_space<hbm>> -> memref<64x128xf32, #tpu.memory_space<hbm>>
    tpu.enqueue_dma source(%dma_start3A_482 : memref<64x128xf32, #tpu.memory_space<hbm>>) target(%dma_start3A_480 : memref<64x128xf32, #tpu.memory_space<vmem>>) target_semaphore(%arg13 : memref<!tpu.dma_semaphore, #tpu.memory_space<semaphore_mem>>)
    %add3A_483 = arith.constant 0 : i32
    %add3A_484 = arith.addi %select_n3A, %add3A_483 : i32
    %add3A_485 = arith.constant 2 : i32
    %add3A_486 = arith.addi %add3A_484, %add3A_485 : i32
    %min3A_487 = arith.constant 7812 : i32
    %min3A_488 = arith.minsi %add3A_486, %min3A_487 : i32
    %mul3A_489 = arith.constant 128 : i32
    %mul3A_490 = arith.muli %min3A_488, %mul3A_489 : i32
    %multiple_of3A_491 = tpu.assume_multiple %mul3A_490, 128 : i32
    %dma_start3A_492 = arith.constant 2 : i32
    %dma_start3A_493 = arith.constant 0 : i32
    %dma_start3A_494 = arith.constant 0 : i32
    %dma_start3A_495 = tpu.memref_slice %arg6[%dma_start3A_492, %dma_start3A_493, %dma_start3A_494] : memref<12x64x128xf32, #tpu.memory_space<vmem>> -> memref<1x64x128xf32, #tpu.memory_space<vmem>>
    %dma_start3A_496 = tpu.memref_squeeze %dma_start3A_495 : memref<1x64x128xf32, #tpu.memory_space<vmem>> -> memref<64x128xf32, #tpu.memory_space<vmem>>
    %dma_start3A_497 = arith.constant 0 : i32
    %dma_start3A_498 = tpu.memref_slice %arg3[%dma_start3A_497, %multiple_of3A_491] : memref<64x1000000xf32, #tpu.memory_space<hbm>> -> memref<64x128xf32, #tpu.memory_space<hbm>>
    %dma_start3A_499 = arith.constant 0 : i32
    %dma_start3A_500 = arith.constant 0 : i32
    %dma_start3A_501 = tpu.memref_slice %arg6[%dma_start3A_492, %dma_start3A_499, %dma_start3A_500] : memref<12x64x128xf32, #tpu.memory_space<vmem>> -> memref<1x64x128xf32, #tpu.memory_space<vmem>>
    %dma_start3A_502 = tpu.memref_squeeze %dma_start3A_501 : memref<1x64x128xf32, #tpu.memory_space<vmem>> -> memref<64x128xf32, #tpu.memory_space<vmem>>
    %dma_start3A_503 = arith.constant 0 : i32
    %dma_start3A_504 = tpu.memref_slice %arg3[%dma_start3A_503, %multiple_of3A_491] : memref<64x1000000xf32, #tpu.memory_space<hbm>> -> memref<64x128xf32, #tpu.memory_space<hbm>>
    tpu.enqueue_dma source(%dma_start3A_504 : memref<64x128xf32, #tpu.memory_space<hbm>>) target(%dma_start3A_502 : memref<64x128xf32, #tpu.memory_space<vmem>>) target_semaphore(%arg13 : memref<!tpu.dma_semaphore, #tpu.memory_space<semaphore_mem>>)
    %add3A_505 = arith.constant 0 : i32
    %add3A_506 = arith.addi %select_n3A, %add3A_505 : i32
    %add3A_507 = arith.constant 3 : i32
    %add3A_508 = arith.addi %add3A_506, %add3A_507 : i32
    %min3A_509 = arith.constant 7812 : i32
    %min3A_510 = arith.minsi %add3A_508, %min3A_509 : i32
    %mul3A_511 = arith.constant 128 : i32
    %mul3A_512 = arith.muli %min3A_510, %mul3A_511 : i32
    %multiple_of3A_513 = tpu.assume_multiple %mul3A_512, 128 : i32
    %dma_start3A_514 = arith.constant 3 : i32
    %dma_start3A_515 = arith.constant 0 : i32
    %dma_start3A_516 = arith.constant 0 : i32
    %dma_start3A_517 = tpu.memref_slice %arg6[%dma_start3A_514, %dma_start3A_515, %dma_start3A_516] : memref<12x64x128xf32, #tpu.memory_space<vmem>> -> memref<1x64x128xf32, #tpu.memory_space<vmem>>
    %dma_start3A_518 = tpu.memref_squeeze %dma_start3A_517 : memref<1x64x128xf32, #tpu.memory_space<vmem>> -> memref<64x128xf32, #tpu.memory_space<vmem>>
    %dma_start3A_519 = arith.constant 0 : i32
    %dma_start3A_520 = tpu.memref_slice %arg3[%dma_start3A_519, %multiple_of3A_513] : memref<64x1000000xf32, #tpu.memory_space<hbm>> -> memref<64x128xf32, #tpu.memory_space<hbm>>
    %dma_start3A_521 = arith.constant 0 : i32
    %dma_start3A_522 = arith.constant 0 : i32
    %dma_start3A_523 = tpu.memref_slice %arg6[%dma_start3A_514, %dma_start3A_521, %dma_start3A_522] : memref<12x64x128xf32, #tpu.memory_space<vmem>> -> memref<1x64x128xf32, #tpu.memory_space<vmem>>
    %dma_start3A_524 = tpu.memref_squeeze %dma_start3A_523 : memref<1x64x128xf32, #tpu.memory_space<vmem>> -> memref<64x128xf32, #tpu.memory_space<vmem>>
    %dma_start3A_525 = arith.constant 0 : i32
    %dma_start3A_526 = tpu.memref_slice %arg3[%dma_start3A_525, %multiple_of3A_513] : memref<64x1000000xf32, #tpu.memory_space<hbm>> -> memref<64x128xf32, #tpu.memory_space<hbm>>
    tpu.enqueue_dma source(%dma_start3A_526 : memref<64x128xf32, #tpu.memory_space<hbm>>) target(%dma_start3A_524 : memref<64x128xf32, #tpu.memory_space<vmem>>) target_semaphore(%arg13 : memref<!tpu.dma_semaphore, #tpu.memory_space<semaphore_mem>>)
    %add3A_527 = arith.constant 4 : i32
    %add3A_528 = arith.addi %select_n3A, %add3A_527 : i32
    %add3A_529 = arith.constant 0 : i32
    %add3A_530 = arith.addi %add3A_528, %add3A_529 : i32
    %min3A_531 = arith.constant 7812 : i32
    %min3A_532 = arith.minsi %add3A_530, %min3A_531 : i32
    %mul3A_533 = arith.constant 128 : i32
    %mul3A_534 = arith.muli %min3A_532, %mul3A_533 : i32
    %multiple_of3A_535 = tpu.assume_multiple %mul3A_534, 128 : i32
    %dma_start3A_536 = arith.constant 4 : i32
    %dma_start3A_537 = arith.constant 0 : i32
    %dma_start3A_538 = arith.constant 0 : i32
    %dma_start3A_539 = tpu.memref_slice %arg6[%dma_start3A_536, %dma_start3A_537, %dma_start3A_538] : memref<12x64x128xf32, #tpu.memory_space<vmem>> -> memref<1x64x128xf32, #tpu.memory_space<vmem>>
    %dma_start3A_540 = tpu.memref_squeeze %dma_start3A_539 : memref<1x64x128xf32, #tpu.memory_space<vmem>> -> memref<64x128xf32, #tpu.memory_space<vmem>>
    %dma_start3A_541 = arith.constant 0 : i32
    %dma_start3A_542 = tpu.memref_slice %arg3[%dma_start3A_541, %multiple_of3A_535] : memref<64x1000000xf32, #tpu.memory_space<hbm>> -> memref<64x128xf32, #tpu.memory_space<hbm>>
    %dma_start3A_543 = arith.constant 0 : i32
    %dma_start3A_544 = arith.constant 0 : i32
    %dma_start3A_545 = tpu.memref_slice %arg6[%dma_start3A_536, %dma_start3A_543, %dma_start3A_544] : memref<12x64x128xf32, #tpu.memory_space<vmem>> -> memref<1x64x128xf32, #tpu.memory_space<vmem>>
    %dma_start3A_546 = tpu.memref_squeeze %dma_start3A_545 : memref<1x64x128xf32, #tpu.memory_space<vmem>> -> memref<64x128xf32, #tpu.memory_space<vmem>>
    %dma_start3A_547 = arith.constant 0 : i32
    %dma_start3A_548 = tpu.memref_slice %arg3[%dma_start3A_547, %multiple_of3A_535] : memref<64x1000000xf32, #tpu.memory_space<hbm>> -> memref<64x128xf32, #tpu.memory_space<hbm>>
    tpu.enqueue_dma source(%dma_start3A_548 : memref<64x128xf32, #tpu.memory_space<hbm>>) target(%dma_start3A_546 : memref<64x128xf32, #tpu.memory_space<vmem>>) target_semaphore(%arg13 : memref<!tpu.dma_semaphore, #tpu.memory_space<semaphore_mem>>)
    %add3A_549 = arith.constant 4 : i32
    %add3A_550 = arith.addi %select_n3A, %add3A_549 : i32
    %add3A_551 = arith.constant 1 : i32
    %add3A_552 = arith.addi %add3A_550, %add3A_551 : i32
    %min3A_553 = arith.constant 7812 : i32
    %min3A_554 = arith.minsi %add3A_552, %min3A_553 : i32
    %mul3A_555 = arith.constant 128 : i32
    %mul3A_556 = arith.muli %min3A_554, %mul3A_555 : i32
    %multiple_of3A_557 = tpu.assume_multiple %mul3A_556, 128 : i32
    %dma_start3A_558 = arith.constant 5 : i32
    %dma_start3A_559 = arith.constant 0 : i32
    %dma_start3A_560 = arith.constant 0 : i32
    %dma_start3A_561 = tpu.memref_slice %arg6[%dma_start3A_558, %dma_start3A_559, %dma_start3A_560] : memref<12x64x128xf32, #tpu.memory_space<vmem>> -> memref<1x64x128xf32, #tpu.memory_space<vmem>>
    %dma_start3A_562 = tpu.memref_squeeze %dma_start3A_561 : memref<1x64x128xf32, #tpu.memory_space<vmem>> -> memref<64x128xf32, #tpu.memory_space<vmem>>
    %dma_start3A_563 = arith.constant 0 : i32
    %dma_start3A_564 = tpu.memref_slice %arg3[%dma_start3A_563, %multiple_of3A_557] : memref<64x1000000xf32, #tpu.memory_space<hbm>> -> memref<64x128xf32, #tpu.memory_space<hbm>>
    %dma_start3A_565 = arith.constant 0 : i32
    %dma_start3A_566 = arith.constant 0 : i32
    %dma_start3A_567 = tpu.memref_slice %arg6[%dma_start3A_558, %dma_start3A_565, %dma_start3A_566] : memref<12x64x128xf32, #tpu.memory_space<vmem>> -> memref<1x64x128xf32, #tpu.memory_space<vmem>>
    %dma_start3A_568 = tpu.memref_squeeze %dma_start3A_567 : memref<1x64x128xf32, #tpu.memory_space<vmem>> -> memref<64x128xf32, #tpu.memory_space<vmem>>
    %dma_start3A_569 = arith.constant 0 : i32
    %dma_start3A_570 = tpu.memref_slice %arg3[%dma_start3A_569, %multiple_of3A_557] : memref<64x1000000xf32, #tpu.memory_space<hbm>> -> memref<64x128xf32, #tpu.memory_space<hbm>>
    tpu.enqueue_dma source(%dma_start3A_570 : memref<64x128xf32, #tpu.memory_space<hbm>>) target(%dma_start3A_568 : memref<64x128xf32, #tpu.memory_space<vmem>>) target_semaphore(%arg13 : memref<!tpu.dma_semaphore, #tpu.memory_space<semaphore_mem>>)
    %add3A_571 = arith.constant 4 : i32
    %add3A_572 = arith.addi %select_n3A, %add3A_571 : i32
    %add3A_573 = arith.constant 2 : i32
    %add3A_574 = arith.addi %add3A_572, %add3A_573 : i32
    %min3A_575 = arith.constant 7812 : i32
    %min3A_576 = arith.minsi %add3A_574, %min3A_575 : i32
    %mul3A_577 = arith.constant 128 : i32
    %mul3A_578 = arith.muli %min3A_576, %mul3A_577 : i32
    %multiple_of3A_579 = tpu.assume_multiple %mul3A_578, 128 : i32
    %dma_start3A_580 = arith.constant 6 : i32
    %dma_start3A_581 = arith.constant 0 : i32
    %dma_start3A_582 = arith.constant 0 : i32
    %dma_start3A_583 = tpu.memref_slice %arg6[%dma_start3A_580, %dma_start3A_581, %dma_start3A_582] : memref<12x64x128xf32, #tpu.memory_space<vmem>> -> memref<1x64x128xf32, #tpu.memory_space<vmem>>
    %dma_start3A_584 = tpu.memref_squeeze %dma_start3A_583 : memref<1x64x128xf32, #tpu.memory_space<vmem>> -> memref<64x128xf32, #tpu.memory_space<vmem>>
    %dma_start3A_585 = arith.constant 0 : i32
    %dma_start3A_586 = tpu.memref_slice %arg3[%dma_start3A_585, %multiple_of3A_579] : memref<64x1000000xf32, #tpu.memory_space<hbm>> -> memref<64x128xf32, #tpu.memory_space<hbm>>
    %dma_start3A_587 = arith.constant 0 : i32
    %dma_start3A_588 = arith.constant 0 : i32
    %dma_start3A_589 = tpu.memref_slice %arg6[%dma_start3A_580, %dma_start3A_587, %dma_start3A_588] : memref<12x64x128xf32, #tpu.memory_space<vmem>> -> memref<1x64x128xf32, #tpu.memory_space<vmem>>
    %dma_start3A_590 = tpu.memref_squeeze %dma_start3A_589 : memref<1x64x128xf32, #tpu.memory_space<vmem>> -> memref<64x128xf32, #tpu.memory_space<vmem>>
    %dma_start3A_591 = arith.constant 0 : i32
    %dma_start3A_592 = tpu.memref_slice %arg3[%dma_start3A_591, %multiple_of3A_579] : memref<64x1000000xf32, #tpu.memory_space<hbm>> -> memref<64x128xf32, #tpu.memory_space<hbm>>
    tpu.enqueue_dma source(%dma_start3A_592 : memref<64x128xf32, #tpu.memory_space<hbm>>) target(%dma_start3A_590 : memref<64x128xf32, #tpu.memory_space<vmem>>) target_semaphore(%arg13 : memref<!tpu.dma_semaphore, #tpu.memory_space<semaphore_mem>>)
    %add3A_593 = arith.constant 4 : i32
    %add3A_594 = arith.addi %select_n3A, %add3A_593 : i32
    %add3A_595 = arith.constant 3 : i32
    %add3A_596 = arith.addi %add3A_594, %add3A_595 : i32
    %min3A_597 = arith.constant 7812 : i32
    %min3A_598 = arith.minsi %add3A_596, %min3A_597 : i32
    %mul3A_599 = arith.constant 128 : i32
    %mul3A_600 = arith.muli %min3A_598, %mul3A_599 : i32
    %multiple_of3A_601 = tpu.assume_multiple %mul3A_600, 128 : i32
    %dma_start3A_602 = arith.constant 7 : i32
    %dma_start3A_603 = arith.constant 0 : i32
    %dma_start3A_604 = arith.constant 0 : i32
    %dma_start3A_605 = tpu.memref_slice %arg6[%dma_start3A_602, %dma_start3A_603, %dma_start3A_604] : memref<12x64x128xf32, #tpu.memory_space<vmem>> -> memref<1x64x128xf32, #tpu.memory_space<vmem>>
    %dma_start3A_606 = tpu.memref_squeeze %dma_start3A_605 : memref<1x64x128xf32, #tpu.memory_space<vmem>> -> memref<64x128xf32, #tpu.memory_space<vmem>>
    %dma_start3A_607 = arith.constant 0 : i32
    %dma_start3A_608 = tpu.memref_slice %arg3[%dma_start3A_607, %multiple_of3A_601] : memref<64x1000000xf32, #tpu.memory_space<hbm>> -> memref<64x128xf32, #tpu.memory_space<hbm>>
    %dma_start3A_609 = arith.constant 0 : i32
    %dma_start3A_610 = arith.constant 0 : i32
    %dma_start3A_611 = tpu.memref_slice %arg6[%dma_start3A_602, %dma_start3A_609, %dma_start3A_610] : memref<12x64x128xf32, #tpu.memory_space<vmem>> -> memref<1x64x128xf32, #tpu.memory_space<vmem>>
    %dma_start3A_612 = tpu.memref_squeeze %dma_start3A_611 : memref<1x64x128xf32, #tpu.memory_space<vmem>> -> memref<64x128xf32, #tpu.memory_space<vmem>>
    %dma_start3A_613 = arith.constant 0 : i32
    %dma_start3A_614 = tpu.memref_slice %arg3[%dma_start3A_613, %multiple_of3A_601] : memref<64x1000000xf32, #tpu.memory_space<hbm>> -> memref<64x128xf32, #tpu.memory_space<hbm>>
    tpu.enqueue_dma source(%dma_start3A_614 : memref<64x128xf32, #tpu.memory_space<hbm>>) target(%dma_start3A_612 : memref<64x128xf32, #tpu.memory_space<vmem>>) target_semaphore(%arg13 : memref<!tpu.dma_semaphore, #tpu.memory_space<semaphore_mem>>)
    %dma_start3A_615 = arith.constant 0 : i32
    %dma_start3A_616 = arith.constant 0 : i32
    %dma_start3A_617 = tpu.memref_slice %arg5[%dma_start3A_615, %dma_start3A_616] : memref<2x2048xi32, #tpu.memory_space<vmem>> -> memref<1x2048xi32, #tpu.memory_space<vmem>>
    %dma_start3A_618 = tpu.memref_squeeze %dma_start3A_617 : memref<1x2048xi32, #tpu.memory_space<vmem>> -> memref<2048xi32, #tpu.memory_space<vmem>>
    %dma_start3A_619 = arith.constant 0 : i32
    %dma_start3A_620 = tpu.memref_slice %arg2[%dma_start3A_619] : memref<16384xi32, #tpu.memory_space<hbm>> -> memref<2048xi32, #tpu.memory_space<hbm>>
    %dma_start3A_621 = arith.constant 0 : i32
    %dma_start3A_622 = tpu.memref_slice %arg5[%dma_start3A_615, %dma_start3A_621] : memref<2x2048xi32, #tpu.memory_space<vmem>> -> memref<1x2048xi32, #tpu.memory_space<vmem>>
    %dma_start3A_623 = tpu.memref_squeeze %dma_start3A_622 : memref<1x2048xi32, #tpu.memory_space<vmem>> -> memref<2048xi32, #tpu.memory_space<vmem>>
    %dma_start3A_624 = arith.constant 0 : i32
    %dma_start3A_625 = tpu.memref_slice %arg2[%dma_start3A_624] : memref<16384xi32, #tpu.memory_space<hbm>> -> memref<2048xi32, #tpu.memory_space<hbm>>
    tpu.enqueue_dma source(%dma_start3A_625 : memref<2048xi32, #tpu.memory_space<hbm>>) target(%dma_start3A_623 : memref<2048xi32, #tpu.memory_space<vmem>>) target_semaphore(%arg12 : memref<!tpu.dma_semaphore, #tpu.memory_space<semaphore_mem>>)
    %dma_wait3A = arith.constant 0 : i32
    %dma_wait3A_626 = arith.constant 0 : i32
    %dma_wait3A_627 = tpu.memref_slice %arg5[%dma_wait3A, %dma_wait3A_626] : memref<2x2048xi32, #tpu.memory_space<vmem>> -> memref<1x2048xi32, #tpu.memory_space<vmem>>
    %dma_wait3A_628 = tpu.memref_squeeze %dma_wait3A_627 : memref<1x2048xi32, #tpu.memory_space<vmem>> -> memref<2048xi32, #tpu.memory_space<vmem>>
    %dma_wait3A_629 = arith.constant 0 : i32
    %dma_wait3A_630 = tpu.memref_slice %arg2[%dma_wait3A_629] : memref<16384xi32, #tpu.memory_space<hbm>> -> memref<2048xi32, #tpu.memory_space<hbm>>
    %dma_wait3A_631 = arith.constant 0 : i32
    %dma_wait3A_632 = tpu.memref_slice %arg5[%dma_wait3A, %dma_wait3A_631] : memref<2x2048xi32, #tpu.memory_space<vmem>> -> memref<1x2048xi32, #tpu.memory_space<vmem>>
    %dma_wait3A_633 = tpu.memref_squeeze %dma_wait3A_632 : memref<1x2048xi32, #tpu.memory_space<vmem>> -> memref<2048xi32, #tpu.memory_space<vmem>>
    %dma_wait3A_634 = arith.constant 0 : i32
    %dma_wait3A_635 = tpu.memref_slice %arg2[%dma_wait3A_634] : memref<16384xi32, #tpu.memory_space<hbm>> -> memref<2048xi32, #tpu.memory_space<hbm>>
    tpu.wait_dma2 semaphore(%arg12 : memref<!tpu.dma_semaphore, #tpu.memory_space<semaphore_mem>>) src(%dma_wait3A_635 : memref<2048xi32, #tpu.memory_space<hbm>>) dst(%dma_wait3A_633 : memref<2048xi32, #tpu.memory_space<vmem>>)
    %scan3A_636 = arith.constant 0 : i32
    %scan3A_637 = arith.constant 0 : i32
    %scan3A_638 = arith.constant 8 : i32
    %scan3A_639 = arith.addi %scan3A_637, %scan3A_638 : i32
    %scan3A_640 = arith.constant 1 : i32
    %scan3A_641 = scf.for %scan3A_810 = %scan3A_637 to %scan3A_639 step %scan3A_640 iter_args(%scan3A_811 = %scan3A_636) -> (i32)  : i32 {
      %add3A_812 = arith.constant 1 : i32
      %add3A_813 = arith.addi %scan3A_810, %add3A_812 : i32
      %min3A_814 = arith.constant 7 : i32
      %min3A_815 = arith.minsi %add3A_813, %min3A_814 : i32
      %mul3A_816 = arith.constant 2048 : i32
      %mul3A_817 = arith.muli %min3A_815, %mul3A_816 : i32
      %add3A_818 = arith.constant 1 : i32
      %add3A_819 = arith.addi %scan3A_810, %add3A_818 : i32
      %jit3A_820 = arith.constant 2 : i32
      %eq3A_821 = arith.constant 0 : i32
      %eq3A_822 = arith.cmpi eq, %jit3A_820, %eq3A_821 : i32
      %jit3A_823 = arith.constant 1 : i32
      %select_n3A_824 = arith.select %eq3A_822, %jit3A_823, %jit3A_820 : i32
      %rem3A_825 = arith.remsi %add3A_819, %select_n3A_824 : i32
      %ne3A_826 = arith.constant 0 : i32
      %ne3A_827 = arith.cmpi ne, %rem3A_825, %ne3A_826 : i32
      %lt3A = arith.constant 0 : i32
      %lt3A_828 = arith.cmpi slt, %rem3A_825, %lt3A : i32
      %lt3A_829 = arith.constant 0 : i32
      %lt3A_830 = arith.cmpi slt, %select_n3A_824, %lt3A_829 : i32
      %ne3A_831 = arith.xori %lt3A_828, %lt3A_830 : i1
      %and3A_832 = arith.andi %ne3A_831, %ne3A_827 : i1
      %add3A_833 = arith.addi %rem3A_825, %select_n3A_824 : i32
      %select_n3A_834 = arith.select %and3A_832, %add3A_833, %rem3A_825 : i32
      %dma_start3A_835 = arith.constant 0 : i32
      %dma_start3A_836 = tpu.memref_slice %arg5[%select_n3A_834, %dma_start3A_835] : memref<2x2048xi32, #tpu.memory_space<vmem>> -> memref<1x2048xi32, #tpu.memory_space<vmem>>
      %dma_start3A_837 = tpu.memref_squeeze %dma_start3A_836 : memref<1x2048xi32, #tpu.memory_space<vmem>> -> memref<2048xi32, #tpu.memory_space<vmem>>
      %dma_start3A_838 = tpu.memref_slice %arg2[%mul3A_817] : memref<16384xi32, #tpu.memory_space<hbm>> -> memref<2048xi32, #tpu.memory_space<hbm>>
      %dma_start3A_839 = arith.constant 0 : i32
      %dma_start3A_840 = tpu.memref_slice %arg5[%select_n3A_834, %dma_start3A_839] : memref<2x2048xi32, #tpu.memory_space<vmem>> -> memref<1x2048xi32, #tpu.memory_space<vmem>>
      %dma_start3A_841 = tpu.memref_squeeze %dma_start3A_840 : memref<1x2048xi32, #tpu.memory_space<vmem>> -> memref<2048xi32, #tpu.memory_space<vmem>>
      %dma_start3A_842 = tpu.memref_slice %arg2[%mul3A_817] : memref<16384xi32, #tpu.memory_space<hbm>> -> memref<2048xi32, #tpu.memory_space<hbm>>
      tpu.enqueue_dma source(%dma_start3A_842 : memref<2048xi32, #tpu.memory_space<hbm>>) target(%dma_start3A_841 : memref<2048xi32, #tpu.memory_space<vmem>>) target_semaphore(%arg12 : memref<!tpu.dma_semaphore, #tpu.memory_space<semaphore_mem>>)
      %scan3A_843 = arith.constant 0 : i32
      %scan3A_844 = arith.constant 128 : i32
      %scan3A_845 = arith.addi %scan3A_843, %scan3A_844 : i32
      %scan3A_846 = arith.constant 1 : i32
      %scan3A_847 = scf.for %scan3A_857 = %scan3A_843 to %scan3A_845 step %scan3A_846 iter_args(%scan3A_858 = %scan3A_811) -> (i32)  : i32 {
        %jit3A_859 = arith.constant 2 : i32
        %eq3A_860 = arith.constant 0 : i32
        %eq3A_861 = arith.cmpi eq, %jit3A_859, %eq3A_860 : i32
        %jit3A_862 = arith.constant 1 : i32
        %select_n3A_863 = arith.select %eq3A_861, %jit3A_862, %jit3A_859 : i32
        %rem3A_864 = arith.remsi %scan3A_810, %select_n3A_863 : i32
        %ne3A_865 = arith.constant 0 : i32
        %ne3A_866 = arith.cmpi ne, %rem3A_864, %ne3A_865 : i32
        %lt3A_867 = arith.constant 0 : i32
        %lt3A_868 = arith.cmpi slt, %rem3A_864, %lt3A_867 : i32
        %lt3A_869 = arith.constant 0 : i32
        %lt3A_870 = arith.cmpi slt, %select_n3A_863, %lt3A_869 : i32
        %ne3A_871 = arith.xori %lt3A_868, %lt3A_870 : i1
        %and3A_872 = arith.andi %ne3A_871, %ne3A_866 : i1
        %add3A_873 = arith.addi %rem3A_864, %select_n3A_863 : i32
        %select_n3A_874 = arith.select %and3A_872, %add3A_873, %rem3A_864 : i32
        %mul3A_875 = arith.constant 16 : i32
        %mul3A_876 = arith.muli %scan3A_857, %mul3A_875 : i32
        %get3A_877 = arith.index_cast %select_n3A_874 : i32 to index
        %get3A_878 = arith.index_cast %mul3A_876 : i32 to index
        %get3A_879 = tpu.vector_load %arg5[%get3A_877, %get3A_878] {strides = array<i32>} : memref<2x2048xi32, #tpu.memory_space<vmem>>, vector<16xi32>,
        %shift_right_logical3A = arith.constant 7 : i32
        %shift_right_logical3A_880 = vector.broadcast %shift_right_logical3A : i32 to vector<16xi32>
        %shift_right_logical3A_881 = arith.shrui %get3A_879, %shift_right_logical3A_880 : vector<16xi32>
        %ge3A_882 = vector.broadcast %select_n3A : i32 to vector<16xi32>
        %ge3A_883 = arith.cmpi sge, %shift_right_logical3A_881, %ge3A_882 : vector<16xi32>
        %lt3A_884 = vector.broadcast %select_n3A_46 : i32 to vector<16xi32>
        %lt3A_885 = arith.cmpi slt, %shift_right_logical3A_881, %lt3A_884 : vector<16xi32>
        %and3A_886 = arith.andi %ge3A_883, %lt3A_885 : vector<16xi1>
        %mul3A_887 = arith.constant 2048 : i32
        %mul3A_888 = arith.muli %scan3A_810, %mul3A_887 : i32
        %mul3A_889 = arith.constant 16 : i32
        %mul3A_890 = arith.muli %scan3A_857, %mul3A_889 : i32
        %add3A_891 = arith.addi %mul3A_888, %mul3A_890 : i32
        %broadcast_in_dim3A_892 = vector.broadcast %add3A_891 : i32 to vector<16xi32>
        %add3A_893 = arith.addi %broadcast_in_dim3A_892, %iota3A : vector<16xi32>
        %min3A_894 = arith.constant 704 : i32
        %min3A_895 = arith.minsi %scan3A_858, %min3A_894 : i32
        %swap3A_896 = arith.index_cast %min3A_895 : i32 to index
        %swap3A_897 = tpu.vector_load %arg7[%swap3A_896] masked %and3A_886 {strides = array<i32>} : memref<720xi32, #tpu.memory_space<vmem>>, vector<16xi32>, vector<16xi1>
        tpu.vector_store %arg7[%swap3A_896], %get3A_879 masked %and3A_886 {strides = array<i32>} : memref<720xi32, #tpu.memory_space<vmem>>, vector<16xi32>, vector<16xi1>
        %swap3A_898 = arith.index_cast %min3A_895 : i32 to index
        %swap3A_899 = tpu.vector_load %arg8[%swap3A_898] masked %and3A_886 {strides = array<i32>} : memref<720xi32, #tpu.memory_space<vmem>>, vector<16xi32>, vector<16xi1>
        tpu.vector_store %arg8[%swap3A_898], %add3A_893 masked %and3A_886 {strides = array<i32>} : memref<720xi32, #tpu.memory_space<vmem>>, vector<16xi32>, vector<16xi1>
        %all_reduce_population_count3A = tpu.all_reduce %and3A_886 {dim = 0 : i64, kind = #tpu.reduction_kind<sum>} : vector<16xi1> -> vector<16xi32>
        %slice3A = vector.extract_strided_slice %all_reduce_population_count3A {offsets = [0], sizes = [1], strides = [1]} : vector<16xi32> to vector<1xi32>
        %squeeze3A = vector.extract %slice3A[0] : i32 from vector<1xi32>
        %add3A_900 = arith.addi %scan3A_858, %squeeze3A : i32
        scf.yield %add3A_900 : i32
      }
      %scan3A_848 = arith.constant 128 : i32
      %dma_wait3A_849 = arith.constant 0 : i32
      %dma_wait3A_850 = tpu.memref_slice %arg5[%select_n3A_834, %dma_wait3A_849] : memref<2x2048xi32, #tpu.memory_space<vmem>> -> memref<1x2048xi32, #tpu.memory_space<vmem>>
      %dma_wait3A_851 = tpu.memref_squeeze %dma_wait3A_850 : memref<1x2048xi32, #tpu.memory_space<vmem>> -> memref<2048xi32, #tpu.memory_space<vmem>>
      %dma_wait3A_852 = tpu.memref_slice %arg2[%mul3A_817] : memref<16384xi32, #tpu.memory_space<hbm>> -> memref<2048xi32, #tpu.memory_space<hbm>>
      %dma_wait3A_853 = arith.constant 0 : i32
      %dma_wait3A_854 = tpu.memref_slice %arg5[%select_n3A_834, %dma_wait3A_853] : memref<2x2048xi32, #tpu.memory_space<vmem>> -> memref<1x2048xi32, #tpu.memory_space<vmem>>
      %dma_wait3A_855 = tpu.memref_squeeze %dma_wait3A_854 : memref<1x2048xi32, #tpu.memory_space<vmem>> -> memref<2048xi32, #tpu.memory_space<vmem>>
      %dma_wait3A_856 = tpu.memref_slice %arg2[%mul3A_817] : memref<16384xi32, #tpu.memory_space<hbm>> -> memref<2048xi32, #tpu.memory_space<hbm>>
      tpu.wait_dma2 semaphore(%arg12 : memref<!tpu.dma_semaphore, #tpu.memory_space<semaphore_mem>>) src(%dma_wait3A_856 : memref<2048xi32, #tpu.memory_space<hbm>>) dst(%dma_wait3A_855 : memref<2048xi32, #tpu.memory_space<vmem>>)
      scf.yield %scan3A_847 : i32
    }
    %scan3A_642 = arith.constant 8 : i32
    %add3A_643 = arith.constant 0 : i32
    %add3A_644 = arith.addi %scan3A_641, %add3A_643 : i32
    %min3A_645 = arith.constant 704 : i32
    %min3A_646 = arith.minsi %add3A_644, %min3A_645 : i32
    %get3A = arith.index_cast %min3A_646 : i32 to index
    %get3A_647 = tpu.vector_load %arg7[%get3A] {strides = array<i32>} : memref<720xi32, #tpu.memory_space<vmem>>, vector<16xi32>,
    %add3A_648 = vector.broadcast %min3A_646 : i32 to vector<16xi32>
    %add3A_649 = arith.addi %iota3A, %add3A_648 : vector<16xi32>
    %ge3A = vector.broadcast %scan3A_641 : i32 to vector<16xi32>
    %ge3A_650 = arith.cmpi sge, %add3A_649, %ge3A : vector<16xi32>
    %broadcast_in_dim3A = arith.constant 1000065 : i32
    %broadcast_in_dim3A_651 = vector.broadcast %broadcast_in_dim3A : i32 to vector<16xi32>
    %select_n3A_652 = arith.select %ge3A_650, %broadcast_in_dim3A_651, %get3A_647 : vector<16xi1>, vector<16xi32>
    %swap3A = arith.index_cast %min3A_646 : i32 to index
    %swap3A_653 = tpu.vector_load %arg7[%swap3A] {strides = array<i32>} : memref<720xi32, #tpu.memory_space<vmem>>, vector<16xi32>,
    tpu.vector_store %arg7[%swap3A], %select_n3A_652 {strides = array<i32>} : memref<720xi32, #tpu.memory_space<vmem>>, vector<16xi32>,
    %scan3A_654 = arith.constant 0 : i32
    %scan3A_655 = arith.constant 0 : i32
    %scan3A_656 = arith.constant 62 : i32
    %scan3A_657 = arith.addi %scan3A_655, %scan3A_656 : i32
    %scan3A_658 = arith.constant 1 : i32
    scf.for %scan3A_810 = %scan3A_655 to %scan3A_657 step %scan3A_658  : i32 {
      %add3A_811 = arith.constant 2 : i32
      %add3A_812 = arith.addi %scan3A_810, %add3A_811 : i32
      %jit3A_813 = arith.constant 3 : i32
      %eq3A_814 = arith.constant 0 : i32
      %eq3A_815 = arith.cmpi eq, %jit3A_813, %eq3A_814 : i32
      %jit3A_816 = arith.constant 1 : i32
      %select_n3A_817 = arith.select %eq3A_815, %jit3A_816, %jit3A_813 : i32
      %rem3A_818 = arith.remsi %add3A_812, %select_n3A_817 : i32
      %ne3A_819 = arith.constant 0 : i32
      %ne3A_820 = arith.cmpi ne, %rem3A_818, %ne3A_819 : i32
      %lt3A = arith.constant 0 : i32
      %lt3A_821 = arith.cmpi slt, %rem3A_818, %lt3A : i32
      %lt3A_822 = arith.constant 0 : i32
      %lt3A_823 = arith.cmpi slt, %select_n3A_817, %lt3A_822 : i32
      %ne3A_824 = arith.xori %lt3A_821, %lt3A_823 : i1
      %and3A_825 = arith.andi %ne3A_824, %ne3A_820 : i1
      %add3A_826 = arith.addi %rem3A_818, %select_n3A_817 : i32
      %select_n3A_827 = arith.select %and3A_825, %add3A_826, %rem3A_818 : i32
      %mul3A_828 = arith.constant 4 : i32
      %mul3A_829 = arith.muli %select_n3A_827, %mul3A_828 : i32
      %mul3A_830 = arith.constant 4 : i32
      %mul3A_831 = arith.muli %add3A_812, %mul3A_830 : i32
      %add3A_832 = arith.addi %select_n3A, %mul3A_831 : i32
      %add3A_833 = arith.constant 0 : i32
      %add3A_834 = arith.addi %add3A_832, %add3A_833 : i32
      %min3A_835 = arith.constant 7812 : i32
      %min3A_836 = arith.minsi %add3A_834, %min3A_835 : i32
      %mul3A_837 = arith.constant 128 : i32
      %mul3A_838 = arith.muli %min3A_836, %mul3A_837 : i32
      %multiple_of3A_839 = tpu.assume_multiple %mul3A_838, 128 : i32
      %add3A_840 = arith.constant 0 : i32
      %add3A_841 = arith.addi %mul3A_829, %add3A_840 : i32
      %dma_start3A_842 = arith.constant 0 : i32
      %dma_start3A_843 = arith.constant 0 : i32
      %dma_start3A_844 = tpu.memref_slice %arg6[%add3A_841, %dma_start3A_842, %dma_start3A_843] : memref<12x64x128xf32, #tpu.memory_space<vmem>> -> memref<1x64x128xf32, #tpu.memory_space<vmem>>
      %dma_start3A_845 = tpu.memref_squeeze %dma_start3A_844 : memref<1x64x128xf32, #tpu.memory_space<vmem>> -> memref<64x128xf32, #tpu.memory_space<vmem>>
      %dma_start3A_846 = arith.constant 0 : i32
      %dma_start3A_847 = tpu.memref_slice %arg3[%dma_start3A_846, %multiple_of3A_839] : memref<64x1000000xf32, #tpu.memory_space<hbm>> -> memref<64x128xf32, #tpu.memory_space<hbm>>
      %dma_start3A_848 = arith.constant 0 : i32
      %dma_start3A_849 = arith.constant 0 : i32
      %dma_start3A_850 = tpu.memref_slice %arg6[%add3A_841, %dma_start3A_848, %dma_start3A_849] : memref<12x64x128xf32, #tpu.memory_space<vmem>> -> memref<1x64x128xf32, #tpu.memory_space<vmem>>
      %dma_start3A_851 = tpu.memref_squeeze %dma_start3A_850 : memref<1x64x128xf32, #tpu.memory_space<vmem>> -> memref<64x128xf32, #tpu.memory_space<vmem>>
      %dma_start3A_852 = arith.constant 0 : i32
      %dma_start3A_853 = tpu.memref_slice %arg3[%dma_start3A_852, %multiple_of3A_839] : memref<64x1000000xf32, #tpu.memory_space<hbm>> -> memref<64x128xf32, #tpu.memory_space<hbm>>
      tpu.enqueue_dma source(%dma_start3A_853 : memref<64x128xf32, #tpu.memory_space<hbm>>) target(%dma_start3A_851 : memref<64x128xf32, #tpu.memory_space<vmem>>) target_semaphore(%arg13 : memref<!tpu.dma_semaphore, #tpu.memory_space<semaphore_mem>>)
      %mul3A_854 = arith.constant 4 : i32
      %mul3A_855 = arith.muli %add3A_812, %mul3A_854 : i32
      %add3A_856 = arith.addi %select_n3A, %mul3A_855 : i32
      %add3A_857 = arith.constant 1 : i32
      %add3A_858 = arith.addi %add3A_856, %add3A_857 : i32
      %min3A_859 = arith.constant 7812 : i32
      %min3A_860 = arith.minsi %add3A_858, %min3A_859 : i32
      %mul3A_861 = arith.constant 128 : i32
      %mul3A_862 = arith.muli %min3A_860, %mul3A_861 : i32
      %multiple_of3A_863 = tpu.assume_multiple %mul3A_862, 128 : i32
      %add3A_864 = arith.constant 1 : i32
      %add3A_865 = arith.addi %mul3A_829, %add3A_864 : i32
      %dma_start3A_866 = arith.constant 0 : i32
      %dma_start3A_867 = arith.constant 0 : i32
      %dma_start3A_868 = tpu.memref_slice %arg6[%add3A_865, %dma_start3A_866, %dma_start3A_867] : memref<12x64x128xf32, #tpu.memory_space<vmem>> -> memref<1x64x128xf32, #tpu.memory_space<vmem>>
      %dma_start3A_869 = tpu.memref_squeeze %dma_start3A_868 : memref<1x64x128xf32, #tpu.memory_space<vmem>> -> memref<64x128xf32, #tpu.memory_space<vmem>>
      %dma_start3A_870 = arith.constant 0 : i32
      %dma_start3A_871 = tpu.memref_slice %arg3[%dma_start3A_870, %multiple_of3A_863] : memref<64x1000000xf32, #tpu.memory_space<hbm>> -> memref<64x128xf32, #tpu.memory_space<hbm>>
      %dma_start3A_872 = arith.constant 0 : i32
      %dma_start3A_873 = arith.constant 0 : i32
      %dma_start3A_874 = tpu.memref_slice %arg6[%add3A_865, %dma_start3A_872, %dma_start3A_873] : memref<12x64x128xf32, #tpu.memory_space<vmem>> -> memref<1x64x128xf32, #tpu.memory_space<vmem>>
      %dma_start3A_875 = tpu.memref_squeeze %dma_start3A_874 : memref<1x64x128xf32, #tpu.memory_space<vmem>> -> memref<64x128xf32, #tpu.memory_space<vmem>>
      %dma_start3A_876 = arith.constant 0 : i32
      %dma_start3A_877 = tpu.memref_slice %arg3[%dma_start3A_876, %multiple_of3A_863] : memref<64x1000000xf32, #tpu.memory_space<hbm>> -> memref<64x128xf32, #tpu.memory_space<hbm>>
      tpu.enqueue_dma source(%dma_start3A_877 : memref<64x128xf32, #tpu.memory_space<hbm>>) target(%dma_start3A_875 : memref<64x128xf32, #tpu.memory_space<vmem>>) target_semaphore(%arg13 : memref<!tpu.dma_semaphore, #tpu.memory_space<semaphore_mem>>)
      %mul3A_878 = arith.constant 4 : i32
      %mul3A_879 = arith.muli %add3A_812, %mul3A_878 : i32
      %add3A_880 = arith.addi %select_n3A, %mul3A_879 : i32
      %add3A_881 = arith.constant 2 : i32
      %add3A_882 = arith.addi %add3A_880, %add3A_881 : i32
      %min3A_883 = arith.constant 7812 : i32
      %min3A_884 = arith.minsi %add3A_882, %min3A_883 : i32
      %mul3A_885 = arith.constant 128 : i32
      %mul3A_886 = arith.muli %min3A_884, %mul3A_885 : i32
      %multiple_of3A_887 = tpu.assume_multiple %mul3A_886, 128 : i32
      %add3A_888 = arith.constant 2 : i32
      %add3A_889 = arith.addi %mul3A_829, %add3A_888 : i32
      %dma_start3A_890 = arith.constant 0 : i32
      %dma_start3A_891 = arith.constant 0 : i32
      %dma_start3A_892 = tpu.memref_slice %arg6[%add3A_889, %dma_start3A_890, %dma_start3A_891] : memref<12x64x128xf32, #tpu.memory_space<vmem>> -> memref<1x64x128xf32, #tpu.memory_space<vmem>>
      %dma_start3A_893 = tpu.memref_squeeze %dma_start3A_892 : memref<1x64x128xf32, #tpu.memory_space<vmem>> -> memref<64x128xf32, #tpu.memory_space<vmem>>
      %dma_start3A_894 = arith.constant 0 : i32
      %dma_start3A_895 = tpu.memref_slice %arg3[%dma_start3A_894, %multiple_of3A_887] : memref<64x1000000xf32, #tpu.memory_space<hbm>> -> memref<64x128xf32, #tpu.memory_space<hbm>>
      %dma_start3A_896 = arith.constant 0 : i32
      %dma_start3A_897 = arith.constant 0 : i32
      %dma_start3A_898 = tpu.memref_slice %arg6[%add3A_889, %dma_start3A_896, %dma_start3A_897] : memref<12x64x128xf32, #tpu.memory_space<vmem>> -> memref<1x64x128xf32, #tpu.memory_space<vmem>>
      %dma_start3A_899 = tpu.memref_squeeze %dma_start3A_898 : memref<1x64x128xf32, #tpu.memory_space<vmem>> -> memref<64x128xf32, #tpu.memory_space<vmem>>
      %dma_start3A_900 = arith.constant 0 : i32
      %dma_start3A_901 = tpu.memref_slice %arg3[%dma_start3A_900, %multiple_of3A_887] : memref<64x1000000xf32, #tpu.memory_space<hbm>> -> memref<64x128xf32, #tpu.memory_space<hbm>>
      tpu.enqueue_dma source(%dma_start3A_901 : memref<64x128xf32, #tpu.memory_space<hbm>>) target(%dma_start3A_899 : memref<64x128xf32, #tpu.memory_space<vmem>>) target_semaphore(%arg13 : memref<!tpu.dma_semaphore, #tpu.memory_space<semaphore_mem>>)
      %mul3A_902 = arith.constant 4 : i32
      %mul3A_903 = arith.muli %add3A_812, %mul3A_902 : i32
      %add3A_904 = arith.addi %select_n3A, %mul3A_903 : i32
      %add3A_905 = arith.constant 3 : i32
      %add3A_906 = arith.addi %add3A_904, %add3A_905 : i32
      %min3A_907 = arith.constant 7812 : i32
      %min3A_908 = arith.minsi %add3A_906, %min3A_907 : i32
      %mul3A_909 = arith.constant 128 : i32
      %mul3A_910 = arith.muli %min3A_908, %mul3A_909 : i32
      %multiple_of3A_911 = tpu.assume_multiple %mul3A_910, 128 : i32
      %add3A_912 = arith.constant 3 : i32
      %add3A_913 = arith.addi %mul3A_829, %add3A_912 : i32
      %dma_start3A_914 = arith.constant 0 : i32
      %dma_start3A_915 = arith.constant 0 : i32
      %dma_start3A_916 = tpu.memref_slice %arg6[%add3A_913, %dma_start3A_914, %dma_start3A_915] : memref<12x64x128xf32, #tpu.memory_space<vmem>> -> memref<1x64x128xf32, #tpu.memory_space<vmem>>
      %dma_start3A_917 = tpu.memref_squeeze %dma_start3A_916 : memref<1x64x128xf32, #tpu.memory_space<vmem>> -> memref<64x128xf32, #tpu.memory_space<vmem>>
      %dma_start3A_918 = arith.constant 0 : i32
      %dma_start3A_919 = tpu.memref_slice %arg3[%dma_start3A_918, %multiple_of3A_911] : memref<64x1000000xf32, #tpu.memory_space<hbm>> -> memref<64x128xf32, #tpu.memory_space<hbm>>
      %dma_start3A_920 = arith.constant 0 : i32
      %dma_start3A_921 = arith.constant 0 : i32
      %dma_start3A_922 = tpu.memref_slice %arg6[%add3A_913, %dma_start3A_920, %dma_start3A_921] : memref<12x64x128xf32, #tpu.memory_space<vmem>> -> memref<1x64x128xf32, #tpu.memory_space<vmem>>
      %dma_start3A_923 = tpu.memref_squeeze %dma_start3A_922 : memref<1x64x128xf32, #tpu.memory_space<vmem>> -> memref<64x128xf32, #tpu.memory_space<vmem>>
      %dma_start3A_924 = arith.constant 0 : i32
      %dma_start3A_925 = tpu.memref_slice %arg3[%dma_start3A_924, %multiple_of3A_911] : memref<64x1000000xf32, #tpu.memory_space<hbm>> -> memref<64x128xf32, #tpu.memory_space<hbm>>
      tpu.enqueue_dma source(%dma_start3A_925 : memref<64x128xf32, #tpu.memory_space<hbm>>) target(%dma_start3A_923 : memref<64x128xf32, #tpu.memory_space<vmem>>) target_semaphore(%arg13 : memref<!tpu.dma_semaphore, #tpu.memory_space<semaphore_mem>>)
      %jit3A_926 = arith.constant 2 : i32
      %eq3A_927 = arith.constant 0 : i32
      %eq3A_928 = arith.cmpi eq, %jit3A_926, %eq3A_927 : i32
      %jit3A_929 = arith.constant 1 : i32
      %select_n3A_930 = arith.select %eq3A_928, %jit3A_929, %jit3A_926 : i32
      %rem3A_931 = arith.remsi %scan3A_810, %select_n3A_930 : i32
      %ne3A_932 = arith.constant 0 : i32
      %ne3A_933 = arith.cmpi ne, %rem3A_931, %ne3A_932 : i32
      %lt3A_934 = arith.constant 0 : i32
      %lt3A_935 = arith.cmpi slt, %rem3A_931, %lt3A_934 : i32
      %lt3A_936 = arith.constant 0 : i32
      %lt3A_937 = arith.cmpi slt, %select_n3A_930, %lt3A_936 : i32
      %ne3A_938 = arith.xori %lt3A_935, %lt3A_937 : i1
      %and3A_939 = arith.andi %ne3A_938, %ne3A_933 : i1
      %add3A_940 = arith.addi %rem3A_931, %select_n3A_930 : i32
      %select_n3A_941 = arith.select %and3A_939, %add3A_940, %rem3A_931 : i32
      %dma_wait3A_942 = arith.constant 0 : i32
      %dma_wait3A_943 = arith.constant 0 : i32
      %dma_wait3A_944 = tpu.memref_slice %arg9[%select_n3A_941, %dma_wait3A_942, %dma_wait3A_943] : memref<2x32x128xf32, #tpu.memory_space<vmem>> -> memref<1x32x128xf32, #tpu.memory_space<vmem>>
      %dma_wait3A_945 = tpu.memref_squeeze %dma_wait3A_944 : memref<1x32x128xf32, #tpu.memory_space<vmem>> -> memref<32x128xf32, #tpu.memory_space<vmem>>
      %dma_wait3A_946 = arith.constant 16384 : i32
      %dma_wait3A_947 = arith.constant 0 : i32
      %dma_wait3A_948 = tpu.memref_slice %arg4[%dma_wait3A_946, %dma_wait3A_947] : memref<17408x128xf32, #tpu.memory_space<hbm>> -> memref<32x128xf32, #tpu.memory_space<hbm>>
      %dma_wait3A_949 = arith.constant 0 : i32
      %dma_wait3A_950 = arith.constant 0 : i32
      %dma_wait3A_951 = tpu.memref_slice %arg9[%select_n3A_941, %dma_wait3A_949, %dma_wait3A_950] : memref<2x32x128xf32, #tpu.memory_space<vmem>> -> memref<1x32x128xf32, #tpu.memory_space<vmem>>
      %dma_wait3A_952 = tpu.memref_squeeze %dma_wait3A_951 : memref<1x32x128xf32, #tpu.memory_space<vmem>> -> memref<32x128xf32, #tpu.memory_space<vmem>>
      %dma_wait3A_953 = arith.constant 16384 : i32
      %dma_wait3A_954 = arith.constant 0 : i32
      %dma_wait3A_955 = tpu.memref_slice %arg4[%dma_wait3A_953, %dma_wait3A_954] : memref<17408x128xf32, #tpu.memory_space<hbm>> -> memref<32x128xf32, #tpu.memory_space<hbm>>
      tpu.wait_dma2 semaphore(%arg14 : memref<!tpu.dma_semaphore, #tpu.memory_space<semaphore_mem>>) src(%dma_wait3A_955 : memref<32x128xf32, #tpu.memory_space<hbm>>) dst(%dma_wait3A_952 : memref<32x128xf32, #tpu.memory_space<vmem>>)
      %dma_wait3A_956 = arith.constant 0 : i32
      %dma_wait3A_957 = arith.constant 0 : i32
      %dma_wait3A_958 = arith.constant 0 : i32
      %dma_wait3A_959 = tpu.memref_slice %arg6[%dma_wait3A_956, %dma_wait3A_957, %dma_wait3A_958] : memref<12x64x128xf32, #tpu.memory_space<vmem>> -> memref<1x64x128xf32, #tpu.memory_space<vmem>>
      %dma_wait3A_960 = tpu.memref_squeeze %dma_wait3A_959 : memref<1x64x128xf32, #tpu.memory_space<vmem>> -> memref<64x128xf32, #tpu.memory_space<vmem>>
      %dma_wait3A_961 = arith.constant 0 : i32
      %dma_wait3A_962 = arith.constant 0 : i32
      %dma_wait3A_963 = tpu.memref_slice %arg3[%dma_wait3A_961, %dma_wait3A_962] : memref<64x1000000xf32, #tpu.memory_space<hbm>> -> memref<64x128xf32, #tpu.memory_space<hbm>>
      %dma_wait3A_964 = arith.constant 0 : i32
      %dma_wait3A_965 = arith.constant 0 : i32
      %dma_wait3A_966 = tpu.memref_slice %arg6[%dma_wait3A_956, %dma_wait3A_964, %dma_wait3A_965] : memref<12x64x128xf32, #tpu.memory_space<vmem>> -> memref<1x64x128xf32, #tpu.memory_space<vmem>>
      %dma_wait3A_967 = tpu.memref_squeeze %dma_wait3A_966 : memref<1x64x128xf32, #tpu.memory_space<vmem>> -> memref<64x128xf32, #tpu.memory_space<vmem>>
      %dma_wait3A_968 = arith.constant 0 : i32
      %dma_wait3A_969 = arith.constant 0 : i32
      %dma_wait3A_970 = tpu.memref_slice %arg3[%dma_wait3A_968, %dma_wait3A_969] : memref<64x1000000xf32, #tpu.memory_space<hbm>> -> memref<64x128xf32, #tpu.memory_space<hbm>>
      tpu.wait_dma2 semaphore(%arg13 : memref<!tpu.dma_semaphore, #tpu.memory_space<semaphore_mem>>) src(%dma_wait3A_970 : memref<64x128xf32, #tpu.memory_space<hbm>>) dst(%dma_wait3A_967 : memref<64x128xf32, #tpu.memory_space<vmem>>)
      %dma_wait3A_971 = arith.constant 0 : i32
      %dma_wait3A_972 = arith.constant 0 : i32
      %dma_wait3A_973 = arith.constant 0 : i32
      %dma_wait3A_974 = tpu.memref_slice %arg6[%dma_wait3A_971, %dma_wait3A_972, %dma_wait3A_973] : memref<12x64x128xf32, #tpu.memory_space<vmem>> -> memref<1x64x128xf32, #tpu.memory_space<vmem>>
      %dma_wait3A_975 = tpu.memref_squeeze %dma_wait3A_974 : memref<1x64x128xf32, #tpu.memory_space<vmem>> -> memref<64x128xf32, #tpu.memory_space<vmem>>
      %dma_wait3A_976 = arith.constant 0 : i32
      %dma_wait3A_977 = arith.constant 0 : i32
      %dma_wait3A_978 = tpu.memref_slice %arg3[%dma_wait3A_976, %dma_wait3A_977] : memref<64x1000000xf32, #tpu.memory_space<hbm>> -> memref<64x128xf32, #tpu.memory_space<hbm>>
      %dma_wait3A_979 = arith.constant 0 : i32
      %dma_wait3A_980 = arith.constant 0 : i32
      %dma_wait3A_981 = tpu.memref_slice %arg6[%dma_wait3A_971, %dma_wait3A_979, %dma_wait3A_980] : memref<12x64x128xf32, #tpu.memory_space<vmem>> -> memref<1x64x128xf32, #tpu.memory_space<vmem>>
      %dma_wait3A_982 = tpu.memref_squeeze %dma_wait3A_981 : memref<1x64x128xf32, #tpu.memory_space<vmem>> -> memref<64x128xf32, #tpu.memory_space<vmem>>
      %dma_wait3A_983 = arith.constant 0 : i32
      %dma_wait3A_984 = arith.constant 0 : i32
      %dma_wait3A_985 = tpu.memref_slice %arg3[%dma_wait3A_983, %dma_wait3A_984] : memref<64x1000000xf32, #tpu.memory_space<hbm>> -> memref<64x128xf32, #tpu.memory_space<hbm>>
      tpu.wait_dma2 semaphore(%arg13 : memref<!tpu.dma_semaphore, #tpu.memory_space<semaphore_mem>>) src(%dma_wait3A_985 : memref<64x128xf32, #tpu.memory_space<hbm>>) dst(%dma_wait3A_982 : memref<64x128xf32, #tpu.memory_space<vmem>>)
      %dma_wait3A_986 = arith.constant 0 : i32
      %dma_wait3A_987 = arith.constant 0 : i32
      %dma_wait3A_988 = arith.constant 0 : i32
      %dma_wait3A_989 = tpu.memref_slice %arg6[%dma_wait3A_986, %dma_wait3A_987, %dma_wait3A_988] : memref<12x64x128xf32, #tpu.memory_space<vmem>> -> memref<1x64x128xf32, #tpu.memory_space<vmem>>
      %dma_wait3A_990 = tpu.memref_squeeze %dma_wait3A_989 : memref<1x64x128xf32, #tpu.memory_space<vmem>> -> memref<64x128xf32, #tpu.memory_space<vmem>>
      %dma_wait3A_991 = arith.constant 0 : i32
      %dma_wait3A_992 = arith.constant 0 : i32
      %dma_wait3A_993 = tpu.memref_slice %arg3[%dma_wait3A_991, %dma_wait3A_992] : memref<64x1000000xf32, #tpu.memory_space<hbm>> -> memref<64x128xf32, #tpu.memory_space<hbm>>
      %dma_wait3A_994 = arith.constant 0 : i32
      %dma_wait3A_995 = arith.constant 0 : i32
      %dma_wait3A_996 = tpu.memref_slice %arg6[%dma_wait3A_986, %dma_wait3A_994, %dma_wait3A_995] : memref<12x64x128xf32, #tpu.memory_space<vmem>> -> memref<1x64x128xf32, #tpu.memory_space<vmem>>
      %dma_wait3A_997 = tpu.memref_squeeze %dma_wait3A_996 : memref<1x64x128xf32, #tpu.memory_space<vmem>> -> memref<64x128xf32, #tpu.memory_space<vmem>>
      %dma_wait3A_998 = arith.constant 0 : i32
      %dma_wait3A_999 = arith.constant 0 : i32
      %dma_wait3A_1000 = tpu.memref_slice %arg3[%dma_wait3A_998, %dma_wait3A_999] : memref<64x1000000xf32, #tpu.memory_space<hbm>> -> memref<64x128xf32, #tpu.memory_space<hbm>>
      tpu.wait_dma2 semaphore(%arg13 : memref<!tpu.dma_semaphore, #tpu.memory_space<semaphore_mem>>) src(%dma_wait3A_1000 : memref<64x128xf32, #tpu.memory_space<hbm>>) dst(%dma_wait3A_997 : memref<64x128xf32, #tpu.memory_space<vmem>>)
      %dma_wait3A_1001 = arith.constant 0 : i32
      %dma_wait3A_1002 = arith.constant 0 : i32
      %dma_wait3A_1003 = arith.constant 0 : i32
      %dma_wait3A_1004 = tpu.memref_slice %arg6[%dma_wait3A_1001, %dma_wait3A_1002, %dma_wait3A_1003] : memref<12x64x128xf32, #tpu.memory_space<vmem>> -> memref<1x64x128xf32, #tpu.memory_space<vmem>>
      %dma_wait3A_1005 = tpu.memref_squeeze %dma_wait3A_1004 : memref<1x64x128xf32, #tpu.memory_space<vmem>> -> memref<64x128xf32, #tpu.memory_space<vmem>>
      %dma_wait3A_1006 = arith.constant 0 : i32
      %dma_wait3A_1007 = arith.constant 0 : i32
      %dma_wait3A_1008 = tpu.memref_slice %arg3[%dma_wait3A_1006, %dma_wait3A_1007] : memref<64x1000000xf32, #tpu.memory_space<hbm>> -> memref<64x128xf32, #tpu.memory_space<hbm>>
      %dma_wait3A_1009 = arith.constant 0 : i32
      %dma_wait3A_1010 = arith.constant 0 : i32
      %dma_wait3A_1011 = tpu.memref_slice %arg6[%dma_wait3A_1001, %dma_wait3A_1009, %dma_wait3A_1010] : memref<12x64x128xf32, #tpu.memory_space<vmem>> -> memref<1x64x128xf32, #tpu.memory_space<vmem>>
      %dma_wait3A_1012 = tpu.memref_squeeze %dma_wait3A_1011 : memref<1x64x128xf32, #tpu.memory_space<vmem>> -> memref<64x128xf32, #tpu.memory_space<vmem>>
      %dma_wait3A_1013 = arith.constant 0 : i32
      %dma_wait3A_1014 = arith.constant 0 : i32
      %dma_wait3A_1015 = tpu.memref_slice %arg3[%dma_wait3A_1013, %dma_wait3A_1014] : memref<64x1000000xf32, #tpu.memory_space<hbm>> -> memref<64x128xf32, #tpu.memory_space<hbm>>
      tpu.wait_dma2 semaphore(%arg13 : memref<!tpu.dma_semaphore, #tpu.memory_space<semaphore_mem>>) src(%dma_wait3A_1015 : memref<64x128xf32, #tpu.memory_space<hbm>>) dst(%dma_wait3A_1012 : memref<64x128xf32, #tpu.memory_space<vmem>>)
      %broadcast_in_dim3A_1016 = vector.broadcast %add3A_52 : i32 to vector<16xi32>
      %add3A_1017 = arith.addi %broadcast_in_dim3A_1016, %iota3A : vector<16xi32>
      %swap3A_1018 = arith.index_cast %select_n3A_941 : i32 to index
      %swap3A_1019 = arith.constant 0 : index
      %swap3A_1020 = tpu.vector_load %arg10[%swap3A_1018, %swap3A_1019] {strides = array<i32>} : memref<2x32xi32, #tpu.memory_space<vmem>>, vector<16xi32>,
      tpu.vector_store %arg10[%swap3A_1018, %swap3A_1019], %add3A_1017 {strides = array<i32>} : memref<2x32xi32, #tpu.memory_space<vmem>>, vector<16xi32>,
      %add3A_1021 = arith.constant 16 : i32
      %add3A_1022 = arith.addi %add3A_52, %add3A_1021 : i32
      %broadcast_in_dim3A_1023 = vector.broadcast %add3A_1022 : i32 to vector<16xi32>
      %add3A_1024 = arith.addi %broadcast_in_dim3A_1023, %iota3A : vector<16xi32>
      %swap3A_1025 = arith.index_cast %select_n3A_941 : i32 to index
      %swap3A_1026 = arith.constant 16 : index
      %swap3A_1027 = tpu.vector_load %arg10[%swap3A_1025, %swap3A_1026] {strides = array<i32>} : memref<2x32xi32, #tpu.memory_space<vmem>>, vector<16xi32>,
      tpu.vector_store %arg10[%swap3A_1025, %swap3A_1026], %add3A_1024 {strides = array<i32>} : memref<2x32xi32, #tpu.memory_space<vmem>>, vector<16xi32>,
      %mul3A_1028 = arith.constant 4 : i32
      %mul3A_1029 = arith.muli %scan3A_810, %mul3A_1028 : i32
      %add3A_1030 = arith.addi %select_n3A, %mul3A_1029 : i32
      %add3A_1031 = arith.constant 4 : i32
      %add3A_1032 = arith.addi %add3A_1030, %add3A_1031 : i32
      %min3A_1033 = arith.minsi %add3A_1032, %select_n3A_46 : i32
      %jit3A_1034 = arith.constant 3 : i32
      %eq3A_1035 = arith.constant 0 : i32
      %eq3A_1036 = arith.cmpi eq, %jit3A_1034, %eq3A_1035 : i32
      %jit3A_1037 = arith.constant 1 : i32
      %select_n3A_1038 = arith.select %eq3A_1036, %jit3A_1037, %jit3A_1034 : i32
      %rem3A_1039 = arith.remsi %scan3A_810, %select_n3A_1038 : i32
      %ne3A_1040 = arith.constant 0 : i32
      %ne3A_1041 = arith.cmpi ne, %rem3A_1039, %ne3A_1040 : i32
      %lt3A_1042 = arith.constant 0 : i32
      %lt3A_1043 = arith.cmpi slt, %rem3A_1039, %lt3A_1042 : i32
      %lt3A_1044 = arith.constant 0 : i32
      %lt3A_1045 = arith.cmpi slt, %select_n3A_1038, %lt3A_1044 : i32
      %ne3A_1046 = arith.xori %lt3A_1043, %lt3A_1045 : i1
      %and3A_1047 = arith.andi %ne3A_1046, %ne3A_1041 : i1
      %add3A_1048 = arith.addi %rem3A_1039, %select_n3A_1038 : i32
      %select_n3A_1049 = arith.select %and3A_1047, %add3A_1048, %rem3A_1039 : i32
      %mul3A_1050 = arith.constant 4 : i32
      %mul3A_1051 = arith.muli %select_n3A_1049, %mul3A_1050 : i32
      %scan3A_1052 = arith.constant 0 : i32
      %scan3A_1053 = arith.constant 0 : i32
      %scan3A_1054 = arith.constant 45 : i32
      %scan3A_1055 = arith.addi %scan3A_1053, %scan3A_1054 : i32
      %scan3A_1056 = arith.constant 1 : i32
      %scan3A_1057 = scf.for %scan3A_1069 = %scan3A_1053 to %scan3A_1055 step %scan3A_1056 iter_args(%scan3A_1070 = %scan3A_1052) -> (i32)  : i32 {
        %mul3A_1071 = arith.constant 16 : i32
        %mul3A_1072 = arith.muli %scan3A_1069, %mul3A_1071 : i32
        %get3A_1073 = arith.index_cast %mul3A_1072 : i32 to index
        %get3A_1074 = tpu.vector_load %arg7[%get3A_1073] {strides = array<i32>} : memref<720xi32, #tpu.memory_space<vmem>>, vector<16xi32>,
        %shift_right_logical3A = arith.constant 7 : i32
        %shift_right_logical3A_1075 = vector.broadcast %shift_right_logical3A : i32 to vector<16xi32>
        %shift_right_logical3A_1076 = arith.shrui %get3A_1074, %shift_right_logical3A_1075 : vector<16xi32>
        %ge3A_1077 = vector.broadcast %add3A_1030 : i32 to vector<16xi32>
        %ge3A_1078 = arith.cmpi sge, %shift_right_logical3A_1076, %ge3A_1077 : vector<16xi32>
        %lt3A_1079 = vector.broadcast %min3A_1033 : i32 to vector<16xi32>
        %lt3A_1080 = arith.cmpi slt, %shift_right_logical3A_1076, %lt3A_1079 : vector<16xi32>
        %and3A_1081 = arith.andi %ge3A_1078, %lt3A_1080 : vector<16xi1>
        %while3A:2 = scf.while (%while3A_1082 = %and3A_1081, %while3A_1083 = %scan3A_1070) : (vector<16xi1>, i32) -> (vector<16xi1>, i32) {
          %all_reduce_population_count3A = tpu.all_reduce %while3A_1082 {dim = 0 : i64, kind = #tpu.reduction_kind<sum>} : vector<16xi1> -> vector<16xi32>
          %slice3A = vector.extract_strided_slice %all_reduce_population_count3A {offsets = [0], sizes = [1], strides = [1]} : vector<16xi32> to vector<1xi32>
          %squeeze3A = vector.extract %slice3A[0] : i32 from vector<1xi32>
          %gt3A = arith.constant 0 : i32
          %gt3A_1084 = arith.cmpi sgt, %squeeze3A, %gt3A : i32
          scf.condition(%gt3A_1084) %while3A_1082, %while3A_1083 : vector<16xi1>, i32
        } do {
        ^bb0(%while3A_1082: vector<16xi1>, %while3A_1083: i32):
          %all_reduce_ffs3A = tpu.all_reduce %while3A_1082 {dim = 0 : i64, kind = #tpu.reduction_kind<find_first_set>} : vector<16xi1> -> vector<16xi32>
          %slice3A = vector.extract_strided_slice %all_reduce_ffs3A {offsets = [0], sizes = [1], strides = [1]} : vector<16xi32> to vector<1xi32>
          %squeeze3A = vector.extract %slice3A[0] : i32 from vector<1xi32>
          %broadcast_in_dim3A_1084 = vector.broadcast %squeeze3A : i32 to vector<16xi32>
          %eq3A_1085 = arith.cmpi eq, %iota3A, %broadcast_in_dim3A_1084 : vector<16xi32>
          %jit3A_1086 = arith.constant 0 : i32
          %broadcast_in_dim3A_1087 = vector.broadcast %jit3A_1086 : i32 to vector<16xi32>
          %select_n3A_1088 = arith.select %eq3A_1085, %get3A_1074, %broadcast_in_dim3A_1087 : vector<16xi1>, vector<16xi32>
          %reduce_sum3A = arith.constant true
          %reduce_sum3A_1089 = vector.broadcast %reduce_sum3A : i1 to vector<16xi1>
          %reduce_sum3A_1090 = tpu.scan <sum>, %select_n3A_1088 masked %reduce_sum3A_1089 : vector<16xi32>, vector<16xi1> -> vector<16xi32>
          %reduce_sum3A_1091 = vector.extract %reduce_sum3A_1090[15] : i32 from vector<16xi32>
          %mul3A_1092 = arith.constant 16 : i32
          %mul3A_1093 = arith.muli %scan3A_1069, %mul3A_1092 : i32
          %get3A_1094 = arith.index_cast %mul3A_1093 : i32 to index
          %get3A_1095 = tpu.vector_load %arg8[%get3A_1094] {strides = array<i32>} : memref<720xi32, #tpu.memory_space<vmem>>, vector<16xi32>,
          %jit3A_1096 = arith.constant 0 : i32
          %broadcast_in_dim3A_1097 = vector.broadcast %jit3A_1096 : i32 to vector<16xi32>
          %select_n3A_1098 = arith.select %eq3A_1085, %get3A_1095, %broadcast_in_dim3A_1097 : vector<16xi1>, vector<16xi32>
          %reduce_sum3A_1099 = arith.constant true
          %reduce_sum3A_1100 = vector.broadcast %reduce_sum3A_1099 : i1 to vector<16xi1>
          %reduce_sum3A_1101 = tpu.scan <sum>, %select_n3A_1098 masked %reduce_sum3A_1100 : vector<16xi32>, vector<16xi1> -> vector<16xi32>
          %reduce_sum3A_1102 = vector.extract %reduce_sum3A_1101[15] : i32 from vector<16xi32>
          %min3A_1103 = arith.constant 31 : i32
          %min3A_1104 = arith.minsi %while3A_1083, %min3A_1103 : i32
          %broadcast_in_dim3A_1105 = vector.broadcast %min3A_1104 : i32 to vector<16xi32>
          %broadcast_in_dim3A_1106 = vector.broadcast %reduce_sum3A_1102 : i32 to vector<16xi32>
          %scatter3A = arith.constant 0 : i32
          %scatter3A_1107 = tpu.memref_slice %arg10[%select_n3A_941, %scatter3A] : memref<2x32xi32, #tpu.memory_space<vmem>> -> memref<1x32xi32, #tpu.memory_space<vmem>>
          %scatter3A_1108 = tpu.memref_squeeze %scatter3A_1107 : memref<1x32xi32, #tpu.memory_space<vmem>> -> memref<32xi32, #tpu.memory_space<vmem>>
          tpu.vector_store_idx %scatter3A_1108[%broadcast_in_dim3A_1105], %broadcast_in_dim3A_1106 masked %eq3A_48 : memref<32xi32, #tpu.memory_space<vmem>>[vector<16xi32>], vector<16xi32>, vector<16xi1>
          %shift_right_logical3A_1109 = arith.constant 7 : i32
          %shift_right_logical3A_1110 = arith.shrui %reduce_sum3A_1091, %shift_right_logical3A_1109 : i32
          %add3A_1111 = arith.addi %mul3A_1051, %shift_right_logical3A_1110 : i32
          %sub3A_1112 = arith.subi %add3A_1111, %add3A_1030 : i32
          %broadcast_in_dim3A_1113 = vector.broadcast %sub3A_1112 : i32 to vector<16xi32>
          %and3A_1114 = arith.constant 127 : i32
          %and3A_1115 = arith.andi %reduce_sum3A_1091, %and3A_1114 : i32
          %broadcast_in_dim3A_1116 = vector.broadcast %and3A_1115 : i32 to vector<16xi32>
          %add3A_1117 = arith.constant 0 : i32
          %add3A_1118 = vector.broadcast %add3A_1117 : i32 to vector<16xi32>
          %add3A_1119 = arith.addi %iota3A, %add3A_1118 : vector<16xi32>
          %gather3A = tpu.vector_load_idx %arg6[%broadcast_in_dim3A_1113, %add3A_1119, %broadcast_in_dim3A_1116] : memref<12x64x128xf32, #tpu.memory_space<vmem>>[vector<16xi32>, vector<16xi32>, vector<16xi32>], vector<16xf32>,
          %mul3A_1120 = arith.constant 8.000000e+00 : f32
          %mul3A_1121 = vector.broadcast %mul3A_1120 : f32 to vector<16xf32>
          %mul3A_1122 = arith.mulf %gather3A, %mul3A_1121 : vector<16xf32>
          %swap3A_1123 = arith.index_cast %select_n3A_941 : i32 to index
          %swap3A_1124 = arith.index_cast %min3A_1104 : i32 to index
          %swap3A_1125 = arith.constant 0 : index
          %swap3A_1126 = tpu.vector_load %arg9[%swap3A_1123, %swap3A_1124, %swap3A_1125] {strides = array<i32>} : memref<2x32x128xf32, #tpu.memory_space<vmem>>, vector<16xf32>,
          tpu.vector_store %arg9[%swap3A_1123, %swap3A_1124, %swap3A_1125], %mul3A_1122 {strides = array<i32>} : memref<2x32x128xf32, #tpu.memory_space<vmem>>, vector<16xf32>,
          %add3A_1127 = arith.constant 16 : i32
          %add3A_1128 = vector.broadcast %add3A_1127 : i32 to vector<16xi32>
          %add3A_1129 = arith.addi %iota3A, %add3A_1128 : vector<16xi32>
          %gather3A_1130 = tpu.vector_load_idx %arg6[%broadcast_in_dim3A_1113, %add3A_1129, %broadcast_in_dim3A_1116] : memref<12x64x128xf32, #tpu.memory_space<vmem>>[vector<16xi32>, vector<16xi32>, vector<16xi32>], vector<16xf32>,
          %mul3A_1131 = arith.constant 8.000000e+00 : f32
          %mul3A_1132 = vector.broadcast %mul3A_1131 : f32 to vector<16xf32>
          %mul3A_1133 = arith.mulf %gather3A_1130, %mul3A_1132 : vector<16xf32>
          %swap3A_1134 = arith.index_cast %select_n3A_941 : i32 to index
          %swap3A_1135 = arith.index_cast %min3A_1104 : i32 to index
          %swap3A_1136 = arith.constant 16 : index
          %swap3A_1137 = tpu.vector_load %arg9[%swap3A_1134, %swap3A_1135, %swap3A_1136] {strides = array<i32>} : memref<2x32x128xf32, #tpu.memory_space<vmem>>, vector<16xf32>,
          tpu.vector_store %arg9[%swap3A_1134, %swap3A_1135, %swap3A_1136], %mul3A_1133 {strides = array<i32>} : memref<2x32x128xf32, #tpu.memory_space<vmem>>, vector<16xf32>,
          %add3A_1138 = arith.constant 32 : i32
          %add3A_1139 = vector.broadcast %add3A_1138 : i32 to vector<16xi32>
          %add3A_1140 = arith.addi %iota3A, %add3A_1139 : vector<16xi32>
          %gather3A_1141 = tpu.vector_load_idx %arg6[%broadcast_in_dim3A_1113, %add3A_1140, %broadcast_in_dim3A_1116] : memref<12x64x128xf32, #tpu.memory_space<vmem>>[vector<16xi32>, vector<16xi32>, vector<16xi32>], vector<16xf32>,
          %mul3A_1142 = arith.constant 8.000000e+00 : f32
          %mul3A_1143 = vector.broadcast %mul3A_1142 : f32 to vector<16xf32>
          %mul3A_1144 = arith.mulf %gather3A_1141, %mul3A_1143 : vector<16xf32>
          %swap3A_1145 = arith.index_cast %select_n3A_941 : i32 to index
          %swap3A_1146 = arith.index_cast %min3A_1104 : i32 to index
          %swap3A_1147 = arith.constant 32 : index
          %swap3A_1148 = tpu.vector_load %arg9[%swap3A_1145, %swap3A_1146, %swap3A_1147] {strides = array<i32>} : memref<2x32x128xf32, #tpu.memory_space<vmem>>, vector<16xf32>,
          tpu.vector_store %arg9[%swap3A_1145, %swap3A_1146, %swap3A_1147], %mul3A_1144 {strides = array<i32>} : memref<2x32x128xf32, #tpu.memory_space<vmem>>, vector<16xf32>,
          %add3A_1149 = arith.constant 48 : i32
          %add3A_1150 = vector.broadcast %add3A_1149 : i32 to vector<16xi32>
          %add3A_1151 = arith.addi %iota3A, %add3A_1150 : vector<16xi32>
          %gather3A_1152 = tpu.vector_load_idx %arg6[%broadcast_in_dim3A_1113, %add3A_1151, %broadcast_in_dim3A_1116] : memref<12x64x128xf32, #tpu.memory_space<vmem>>[vector<16xi32>, vector<16xi32>, vector<16xi32>], vector<16xf32>,
          %mul3A_1153 = arith.constant 8.000000e+00 : f32
          %mul3A_1154 = vector.broadcast %mul3A_1153 : f32 to vector<16xf32>
          %mul3A_1155 = arith.mulf %gather3A_1152, %mul3A_1154 : vector<16xf32>
          %swap3A_1156 = arith.index_cast %select_n3A_941 : i32 to index
          %swap3A_1157 = arith.index_cast %min3A_1104 : i32 to index
          %swap3A_1158 = arith.constant 48 : index
          %swap3A_1159 = tpu.vector_load %arg9[%swap3A_1156, %swap3A_1157, %swap3A_1158] {strides = array<i32>} : memref<2x32x128xf32, #tpu.memory_space<vmem>>, vector<16xf32>,
          tpu.vector_store %arg9[%swap3A_1156, %swap3A_1157, %swap3A_1158], %mul3A_1155 {strides = array<i32>} : memref<2x32x128xf32, #tpu.memory_space<vmem>>, vector<16xf32>,
          %ne3A_1160 = arith.cmpi ne, %iota3A, %broadcast_in_dim3A_1084 : vector<16xi32>
          %and3A_1161 = arith.andi %while3A_1082, %ne3A_1160 : vector<16xi1>
          %add3A_1162 = arith.constant 1 : i32
          %add3A_1163 = arith.addi %while3A_1083, %add3A_1162 : i32
          scf.yield %and3A_1161, %add3A_1163 : vector<16xi1>, i32
        }
        scf.yield %while3A#1 : i32
      }
      %scan3A_1058 = arith.constant 45 : i32
      %dma_start3A_1059 = arith.constant 0 : i32
      %dma_start3A_1060 = arith.constant 0 : i32
      %dma_start3A_1061 = tpu.memref_slice %arg9[%select_n3A_941, %dma_start3A_1059, %dma_start3A_1060] : memref<2x32x128xf32, #tpu.memory_space<vmem>> -> memref<1x32x128xf32, #tpu.memory_space<vmem>>
      %dma_start3A_1062 = tpu.memref_squeeze %dma_start3A_1061 : memref<1x32x128xf32, #tpu.memory_space<vmem>> -> memref<32x128xf32, #tpu.memory_space<vmem>>
      %dma_start3A_1063 = arith.constant 0 : i32
      %dma_start3A_1064 = tpu.memref_slice %arg10[%select_n3A_941, %dma_start3A_1063] : memref<2x32xi32, #tpu.memory_space<vmem>> -> memref<1x32xi32, #tpu.memory_space<vmem>>
      %dma_start3A_1065 = tpu.memref_squeeze %dma_start3A_1064 : memref<1x32xi32, #tpu.memory_space<vmem>> -> memref<32xi32, #tpu.memory_space<vmem>>
      %dma_start3A_1066 = arith.constant 0 : i32
      %dma_start3A_1067 = arith.constant 0 : i32
      %dma_start3A_1068 = tpu.memref_slice %arg4[%dma_start3A_1066, %dma_start3A_1067] : memref<17408x128xf32, #tpu.memory_space<hbm>> -> memref<17408x128xf32, #tpu.memory_space<hbm>>
      tpu.enqueue_indirect_dma source(%dma_start3A_1062 : memref<32x128xf32, #tpu.memory_space<vmem>>) target(%dma_start3A_1068 : memref<17408x128xf32, #tpu.memory_space<hbm>>) offsets(%dma_start3A_1065 : memref<32xi32, #tpu.memory_space<vmem>>) semaphore(%arg14 : memref<!tpu.dma_semaphore, #tpu.memory_space<semaphore_mem>>)
    }
    %scan3A_659 = arith.constant 62 : i32
    %dma_wait3A_660 = arith.constant 0 : i32
    %dma_wait3A_661 = arith.constant 0 : i32
    %dma_wait3A_662 = arith.constant 0 : i32
    %dma_wait3A_663 = tpu.memref_slice %arg6[%dma_wait3A_660, %dma_wait3A_661, %dma_wait3A_662] : memref<12x64x128xf32, #tpu.memory_space<vmem>> -> memref<1x64x128xf32, #tpu.memory_space<vmem>>
    %dma_wait3A_664 = tpu.memref_squeeze %dma_wait3A_663 : memref<1x64x128xf32, #tpu.memory_space<vmem>> -> memref<64x128xf32, #tpu.memory_space<vmem>>
    %dma_wait3A_665 = arith.constant 0 : i32
    %dma_wait3A_666 = arith.constant 0 : i32
    %dma_wait3A_667 = tpu.memref_slice %arg3[%dma_wait3A_665, %dma_wait3A_666] : memref<64x1000000xf32, #tpu.memory_space<hbm>> -> memref<64x128xf32, #tpu.memory_space<hbm>>
    %dma_wait3A_668 = arith.constant 0 : i32
    %dma_wait3A_669 = arith.constant 0 : i32
    %dma_wait3A_670 = tpu.memref_slice %arg6[%dma_wait3A_660, %dma_wait3A_668, %dma_wait3A_669] : memref<12x64x128xf32, #tpu.memory_space<vmem>> -> memref<1x64x128xf32, #tpu.memory_space<vmem>>
    %dma_wait3A_671 = tpu.memref_squeeze %dma_wait3A_670 : memref<1x64x128xf32, #tpu.memory_space<vmem>> -> memref<64x128xf32, #tpu.memory_space<vmem>>
    %dma_wait3A_672 = arith.constant 0 : i32
    %dma_wait3A_673 = arith.constant 0 : i32
    %dma_wait3A_674 = tpu.memref_slice %arg3[%dma_wait3A_672, %dma_wait3A_673] : memref<64x1000000xf32, #tpu.memory_space<hbm>> -> memref<64x128xf32, #tpu.memory_space<hbm>>
    tpu.wait_dma2 semaphore(%arg13 : memref<!tpu.dma_semaphore, #tpu.memory_space<semaphore_mem>>) src(%dma_wait3A_674 : memref<64x128xf32, #tpu.memory_space<hbm>>) dst(%dma_wait3A_671 : memref<64x128xf32, #tpu.memory_space<vmem>>)
    %dma_wait3A_675 = arith.constant 0 : i32
    %dma_wait3A_676 = arith.constant 0 : i32
    %dma_wait3A_677 = arith.constant 0 : i32
    %dma_wait3A_678 = tpu.memref_slice %arg6[%dma_wait3A_675, %dma_wait3A_676, %dma_wait3A_677] : memref<12x64x128xf32, #tpu.memory_space<vmem>> -> memref<1x64x128xf32, #tpu.memory_space<vmem>>
    %dma_wait3A_679 = tpu.memref_squeeze %dma_wait3A_678 : memref<1x64x128xf32, #tpu.memory_space<vmem>> -> memref<64x128xf32, #tpu.memory_space<vmem>>
    %dma_wait3A_680 = arith.constant 0 : i32
    %dma_wait3A_681 = arith.constant 0 : i32
    %dma_wait3A_682 = tpu.memref_slice %arg3[%dma_wait3A_680, %dma_wait3A_681] : memref<64x1000000xf32, #tpu.memory_space<hbm>> -> memref<64x128xf32, #tpu.memory_space<hbm>>
    %dma_wait3A_683 = arith.constant 0 : i32
    %dma_wait3A_684 = arith.constant 0 : i32
    %dma_wait3A_685 = tpu.memref_slice %arg6[%dma_wait3A_675, %dma_wait3A_683, %dma_wait3A_684] : memref<12x64x128xf32, #tpu.memory_space<vmem>> -> memref<1x64x128xf32, #tpu.memory_space<vmem>>
    %dma_wait3A_686 = tpu.memref_squeeze %dma_wait3A_685 : memref<1x64x128xf32, #tpu.memory_space<vmem>> -> memref<64x128xf32, #tpu.memory_space<vmem>>
    %dma_wait3A_687 = arith.constant 0 : i32
    %dma_wait3A_688 = arith.constant 0 : i32
    %dma_wait3A_689 = tpu.memref_slice %arg3[%dma_wait3A_687, %dma_wait3A_688] : memref<64x1000000xf32, #tpu.memory_space<hbm>> -> memref<64x128xf32, #tpu.memory_space<hbm>>
    tpu.wait_dma2 semaphore(%arg13 : memref<!tpu.dma_semaphore, #tpu.memory_space<semaphore_mem>>) src(%dma_wait3A_689 : memref<64x128xf32, #tpu.memory_space<hbm>>) dst(%dma_wait3A_686 : memref<64x128xf32, #tpu.memory_space<vmem>>)
    %dma_wait3A_690 = arith.constant 0 : i32
    %dma_wait3A_691 = arith.constant 0 : i32
    %dma_wait3A_692 = arith.constant 0 : i32
    %dma_wait3A_693 = tpu.memref_slice %arg6[%dma_wait3A_690, %dma_wait3A_691, %dma_wait3A_692] : memref<12x64x128xf32, #tpu.memory_space<vmem>> -> memref<1x64x128xf32, #tpu.memory_space<vmem>>
    %dma_wait3A_694 = tpu.memref_squeeze %dma_wait3A_693 : memref<1x64x128xf32, #tpu.memory_space<vmem>> -> memref<64x128xf32, #tpu.memory_space<vmem>>
    %dma_wait3A_695 = arith.constant 0 : i32
    %dma_wait3A_696 = arith.constant 0 : i32
    %dma_wait3A_697 = tpu.memref_slice %arg3[%dma_wait3A_695, %dma_wait3A_696] : memref<64x1000000xf32, #tpu.memory_space<hbm>> -> memref<64x128xf32, #tpu.memory_space<hbm>>
    %dma_wait3A_698 = arith.constant 0 : i32
    %dma_wait3A_699 = arith.constant 0 : i32
    %dma_wait3A_700 = tpu.memref_slice %arg6[%dma_wait3A_690, %dma_wait3A_698, %dma_wait3A_699] : memref<12x64x128xf32, #tpu.memory_space<vmem>> -> memref<1x64x128xf32, #tpu.memory_space<vmem>>
    %dma_wait3A_701 = tpu.memref_squeeze %dma_wait3A_700 : memref<1x64x128xf32, #tpu.memory_space<vmem>> -> memref<64x128xf32, #tpu.memory_space<vmem>>
    %dma_wait3A_702 = arith.constant 0 : i32
    %dma_wait3A_703 = arith.constant 0 : i32
    %dma_wait3A_704 = tpu.memref_slice %arg3[%dma_wait3A_702, %dma_wait3A_703] : memref<64x1000000xf32, #tpu.memory_space<hbm>> -> memref<64x128xf32, #tpu.memory_space<hbm>>
    tpu.wait_dma2 semaphore(%arg13 : memref<!tpu.dma_semaphore, #tpu.memory_space<semaphore_mem>>) src(%dma_wait3A_704 : memref<64x128xf32, #tpu.memory_space<hbm>>) dst(%dma_wait3A_701 : memref<64x128xf32, #tpu.memory_space<vmem>>)
    %dma_wait3A_705 = arith.constant 0 : i32
    %dma_wait3A_706 = arith.constant 0 : i32
    %dma_wait3A_707 = arith.constant 0 : i32
    %dma_wait3A_708 = tpu.memref_slice %arg6[%dma_wait3A_705, %dma_wait3A_706, %dma_wait3A_707] : memref<12x64x128xf32, #tpu.memory_space<vmem>> -> memref<1x64x128xf32, #tpu.memory_space<vmem>>
    %dma_wait3A_709 = tpu.memref_squeeze %dma_wait3A_708 : memref<1x64x128xf32, #tpu.memory_space<vmem>> -> memref<64x128xf32, #tpu.memory_space<vmem>>
    %dma_wait3A_710 = arith.constant 0 : i32
    %dma_wait3A_711 = arith.constant 0 : i32
    %dma_wait3A_712 = tpu.memref_slice %arg3[%dma_wait3A_710, %dma_wait3A_711] : memref<64x1000000xf32, #tpu.memory_space<hbm>> -> memref<64x128xf32, #tpu.memory_space<hbm>>
    %dma_wait3A_713 = arith.constant 0 : i32
    %dma_wait3A_714 = arith.constant 0 : i32
    %dma_wait3A_715 = tpu.memref_slice %arg6[%dma_wait3A_705, %dma_wait3A_713, %dma_wait3A_714] : memref<12x64x128xf32, #tpu.memory_space<vmem>> -> memref<1x64x128xf32, #tpu.memory_space<vmem>>
    %dma_wait3A_716 = tpu.memref_squeeze %dma_wait3A_715 : memref<1x64x128xf32, #tpu.memory_space<vmem>> -> memref<64x128xf32, #tpu.memory_space<vmem>>
    %dma_wait3A_717 = arith.constant 0 : i32
    %dma_wait3A_718 = arith.constant 0 : i32
    %dma_wait3A_719 = tpu.memref_slice %arg3[%dma_wait3A_717, %dma_wait3A_718] : memref<64x1000000xf32, #tpu.memory_space<hbm>> -> memref<64x128xf32, #tpu.memory_space<hbm>>
    tpu.wait_dma2 semaphore(%arg13 : memref<!tpu.dma_semaphore, #tpu.memory_space<semaphore_mem>>) src(%dma_wait3A_719 : memref<64x128xf32, #tpu.memory_space<hbm>>) dst(%dma_wait3A_716 : memref<64x128xf32, #tpu.memory_space<vmem>>)
    %dma_wait3A_720 = arith.constant 0 : i32
    %dma_wait3A_721 = arith.constant 0 : i32
    %dma_wait3A_722 = arith.constant 0 : i32
    %dma_wait3A_723 = tpu.memref_slice %arg6[%dma_wait3A_720, %dma_wait3A_721, %dma_wait3A_722] : memref<12x64x128xf32, #tpu.memory_space<vmem>> -> memref<1x64x128xf32, #tpu.memory_space<vmem>>
    %dma_wait3A_724 = tpu.memref_squeeze %dma_wait3A_723 : memref<1x64x128xf32, #tpu.memory_space<vmem>> -> memref<64x128xf32, #tpu.memory_space<vmem>>
    %dma_wait3A_725 = arith.constant 0 : i32
    %dma_wait3A_726 = arith.constant 0 : i32
    %dma_wait3A_727 = tpu.memref_slice %arg3[%dma_wait3A_725, %dma_wait3A_726] : memref<64x1000000xf32, #tpu.memory_space<hbm>> -> memref<64x128xf32, #tpu.memory_space<hbm>>
    %dma_wait3A_728 = arith.constant 0 : i32
    %dma_wait3A_729 = arith.constant 0 : i32
    %dma_wait3A_730 = tpu.memref_slice %arg6[%dma_wait3A_720, %dma_wait3A_728, %dma_wait3A_729] : memref<12x64x128xf32, #tpu.memory_space<vmem>> -> memref<1x64x128xf32, #tpu.memory_space<vmem>>
    %dma_wait3A_731 = tpu.memref_squeeze %dma_wait3A_730 : memref<1x64x128xf32, #tpu.memory_space<vmem>> -> memref<64x128xf32, #tpu.memory_space<vmem>>
    %dma_wait3A_732 = arith.constant 0 : i32
    %dma_wait3A_733 = arith.constant 0 : i32
    %dma_wait3A_734 = tpu.memref_slice %arg3[%dma_wait3A_732, %dma_wait3A_733] : memref<64x1000000xf32, #tpu.memory_space<hbm>> -> memref<64x128xf32, #tpu.memory_space<hbm>>
    tpu.wait_dma2 semaphore(%arg13 : memref<!tpu.dma_semaphore, #tpu.memory_space<semaphore_mem>>) src(%dma_wait3A_734 : memref<64x128xf32, #tpu.memory_space<hbm>>) dst(%dma_wait3A_731 : memref<64x128xf32, #tpu.memory_space<vmem>>)
    %dma_wait3A_735 = arith.constant 0 : i32
    %dma_wait3A_736 = arith.constant 0 : i32
    %dma_wait3A_737 = arith.constant 0 : i32
    %dma_wait3A_738 = tpu.memref_slice %arg6[%dma_wait3A_735, %dma_wait3A_736, %dma_wait3A_737] : memref<12x64x128xf32, #tpu.memory_space<vmem>> -> memref<1x64x128xf32, #tpu.memory_space<vmem>>
    %dma_wait3A_739 = tpu.memref_squeeze %dma_wait3A_738 : memref<1x64x128xf32, #tpu.memory_space<vmem>> -> memref<64x128xf32, #tpu.memory_space<vmem>>
    %dma_wait3A_740 = arith.constant 0 : i32
    %dma_wait3A_741 = arith.constant 0 : i32
    %dma_wait3A_742 = tpu.memref_slice %arg3[%dma_wait3A_740, %dma_wait3A_741] : memref<64x1000000xf32, #tpu.memory_space<hbm>> -> memref<64x128xf32, #tpu.memory_space<hbm>>
    %dma_wait3A_743 = arith.constant 0 : i32
    %dma_wait3A_744 = arith.constant 0 : i32
    %dma_wait3A_745 = tpu.memref_slice %arg6[%dma_wait3A_735, %dma_wait3A_743, %dma_wait3A_744] : memref<12x64x128xf32, #tpu.memory_space<vmem>> -> memref<1x64x128xf32, #tpu.memory_space<vmem>>
    %dma_wait3A_746 = tpu.memref_squeeze %dma_wait3A_745 : memref<1x64x128xf32, #tpu.memory_space<vmem>> -> memref<64x128xf32, #tpu.memory_space<vmem>>
    %dma_wait3A_747 = arith.constant 0 : i32
    %dma_wait3A_748 = arith.constant 0 : i32
    %dma_wait3A_749 = tpu.memref_slice %arg3[%dma_wait3A_747, %dma_wait3A_748] : memref<64x1000000xf32, #tpu.memory_space<hbm>> -> memref<64x128xf32, #tpu.memory_space<hbm>>
    tpu.wait_dma2 semaphore(%arg13 : memref<!tpu.dma_semaphore, #tpu.memory_space<semaphore_mem>>) src(%dma_wait3A_749 : memref<64x128xf32, #tpu.memory_space<hbm>>) dst(%dma_wait3A_746 : memref<64x128xf32, #tpu.memory_space<vmem>>)
    %dma_wait3A_750 = arith.constant 0 : i32
    %dma_wait3A_751 = arith.constant 0 : i32
    %dma_wait3A_752 = arith.constant 0 : i32
    %dma_wait3A_753 = tpu.memref_slice %arg6[%dma_wait3A_750, %dma_wait3A_751, %dma_wait3A_752] : memref<12x64x128xf32, #tpu.memory_space<vmem>> -> memref<1x64x128xf32, #tpu.memory_space<vmem>>
    %dma_wait3A_754 = tpu.memref_squeeze %dma_wait3A_753 : memref<1x64x128xf32, #tpu.memory_space<vmem>> -> memref<64x128xf32, #tpu.memory_space<vmem>>
    %dma_wait3A_755 = arith.constant 0 : i32
    %dma_wait3A_756 = arith.constant 0 : i32
    %dma_wait3A_757 = tpu.memref_slice %arg3[%dma_wait3A_755, %dma_wait3A_756] : memref<64x1000000xf32, #tpu.memory_space<hbm>> -> memref<64x128xf32, #tpu.memory_space<hbm>>
    %dma_wait3A_758 = arith.constant 0 : i32
    %dma_wait3A_759 = arith.constant 0 : i32
    %dma_wait3A_760 = tpu.memref_slice %arg6[%dma_wait3A_750, %dma_wait3A_758, %dma_wait3A_759] : memref<12x64x128xf32, #tpu.memory_space<vmem>> -> memref<1x64x128xf32, #tpu.memory_space<vmem>>
    %dma_wait3A_761 = tpu.memref_squeeze %dma_wait3A_760 : memref<1x64x128xf32, #tpu.memory_space<vmem>> -> memref<64x128xf32, #tpu.memory_space<vmem>>
    %dma_wait3A_762 = arith.constant 0 : i32
    %dma_wait3A_763 = arith.constant 0 : i32
    %dma_wait3A_764 = tpu.memref_slice %arg3[%dma_wait3A_762, %dma_wait3A_763] : memref<64x1000000xf32, #tpu.memory_space<hbm>> -> memref<64x128xf32, #tpu.memory_space<hbm>>
    tpu.wait_dma2 semaphore(%arg13 : memref<!tpu.dma_semaphore, #tpu.memory_space<semaphore_mem>>) src(%dma_wait3A_764 : memref<64x128xf32, #tpu.memory_space<hbm>>) dst(%dma_wait3A_761 : memref<64x128xf32, #tpu.memory_space<vmem>>)
    %dma_wait3A_765 = arith.constant 0 : i32
    %dma_wait3A_766 = arith.constant 0 : i32
    %dma_wait3A_767 = arith.constant 0 : i32
    %dma_wait3A_768 = tpu.memref_slice %arg6[%dma_wait3A_765, %dma_wait3A_766, %dma_wait3A_767] : memref<12x64x128xf32, #tpu.memory_space<vmem>> -> memref<1x64x128xf32, #tpu.memory_space<vmem>>
    %dma_wait3A_769 = tpu.memref_squeeze %dma_wait3A_768 : memref<1x64x128xf32, #tpu.memory_space<vmem>> -> memref<64x128xf32, #tpu.memory_space<vmem>>
    %dma_wait3A_770 = arith.constant 0 : i32
    %dma_wait3A_771 = arith.constant 0 : i32
    %dma_wait3A_772 = tpu.memref_slice %arg3[%dma_wait3A_770, %dma_wait3A_771] : memref<64x1000000xf32, #tpu.memory_space<hbm>> -> memref<64x128xf32, #tpu.memory_space<hbm>>
    %dma_wait3A_773 = arith.constant 0 : i32
    %dma_wait3A_774 = arith.constant 0 : i32
    %dma_wait3A_775 = tpu.memref_slice %arg6[%dma_wait3A_765, %dma_wait3A_773, %dma_wait3A_774] : memref<12x64x128xf32, #tpu.memory_space<vmem>> -> memref<1x64x128xf32, #tpu.memory_space<vmem>>
    %dma_wait3A_776 = tpu.memref_squeeze %dma_wait3A_775 : memref<1x64x128xf32, #tpu.memory_space<vmem>> -> memref<64x128xf32, #tpu.memory_space<vmem>>
    %dma_wait3A_777 = arith.constant 0 : i32
    %dma_wait3A_778 = arith.constant 0 : i32
    %dma_wait3A_779 = tpu.memref_slice %arg3[%dma_wait3A_777, %dma_wait3A_778] : memref<64x1000000xf32, #tpu.memory_space<hbm>> -> memref<64x128xf32, #tpu.memory_space<hbm>>
    tpu.wait_dma2 semaphore(%arg13 : memref<!tpu.dma_semaphore, #tpu.memory_space<semaphore_mem>>) src(%dma_wait3A_779 : memref<64x128xf32, #tpu.memory_space<hbm>>) dst(%dma_wait3A_776 : memref<64x128xf32, #tpu.memory_space<vmem>>)
    %dma_wait3A_780 = arith.constant 0 : i32
    %dma_wait3A_781 = arith.constant 0 : i32
    %dma_wait3A_782 = arith.constant 0 : i32
    %dma_wait3A_783 = tpu.memref_slice %arg9[%dma_wait3A_780, %dma_wait3A_781, %dma_wait3A_782] : memref<2x32x128xf32, #tpu.memory_space<vmem>> -> memref<1x32x128xf32, #tpu.memory_space<vmem>>
    %dma_wait3A_784 = tpu.memref_squeeze %dma_wait3A_783 : memref<1x32x128xf32, #tpu.memory_space<vmem>> -> memref<32x128xf32, #tpu.memory_space<vmem>>
    %dma_wait3A_785 = arith.constant 16384 : i32
    %dma_wait3A_786 = arith.constant 0 : i32
    %dma_wait3A_787 = tpu.memref_slice %arg4[%dma_wait3A_785, %dma_wait3A_786] : memref<17408x128xf32, #tpu.memory_space<hbm>> -> memref<32x128xf32, #tpu.memory_space<hbm>>
    %dma_wait3A_788 = arith.constant 0 : i32
    %dma_wait3A_789 = arith.constant 0 : i32
    %dma_wait3A_790 = tpu.memref_slice %arg9[%dma_wait3A_780, %dma_wait3A_788, %dma_wait3A_789] : memref<2x32x128xf32, #tpu.memory_space<vmem>> -> memref<1x32x128xf32, #tpu.memory_space<vmem>>
    %dma_wait3A_791 = tpu.memref_squeeze %dma_wait3A_790 : memref<1x32x128xf32, #tpu.memory_space<vmem>> -> memref<32x128xf32, #tpu.memory_space<vmem>>
    %dma_wait3A_792 = arith.constant 16384 : i32
    %dma_wait3A_793 = arith.constant 0 : i32
    %dma_wait3A_794 = tpu.memref_slice %arg4[%dma_wait3A_792, %dma_wait3A_793] : memref<17408x128xf32, #tpu.memory_space<hbm>> -> memref<32x128xf32, #tpu.memory_space<hbm>>
    tpu.wait_dma2 semaphore(%arg14 : memref<!tpu.dma_semaphore, #tpu.memory_space<semaphore_mem>>) src(%dma_wait3A_794 : memref<32x128xf32, #tpu.memory_space<hbm>>) dst(%dma_wait3A_791 : memref<32x128xf32, #tpu.memory_space<vmem>>)
    %dma_wait3A_795 = arith.constant 1 : i32
    %dma_wait3A_796 = arith.constant 0 : i32
    %dma_wait3A_797 = arith.constant 0 : i32
    %dma_wait3A_798 = tpu.memref_slice %arg9[%dma_wait3A_795, %dma_wait3A_796, %dma_wait3A_797] : memref<2x32x128xf32, #tpu.memory_space<vmem>> -> memref<1x32x128xf32, #tpu.memory_space<vmem>>
    %dma_wait3A_799 = tpu.memref_squeeze %dma_wait3A_798 : memref<1x32x128xf32, #tpu.memory_space<vmem>> -> memref<32x128xf32, #tpu.memory_space<vmem>>
    %dma_wait3A_800 = arith.constant 16384 : i32
    %dma_wait3A_801 = arith.constant 0 : i32
    %dma_wait3A_802 = tpu.memref_slice %arg4[%dma_wait3A_800, %dma_wait3A_801] : memref<17408x128xf32, #tpu.memory_space<hbm>> -> memref<32x128xf32, #tpu.memory_space<hbm>>
    %dma_wait3A_803 = arith.constant 0 : i32
    %dma_wait3A_804 = arith.constant 0 : i32
    %dma_wait3A_805 = tpu.memref_slice %arg9[%dma_wait3A_795, %dma_wait3A_803, %dma_wait3A_804] : memref<2x32x128xf32, #tpu.memory_space<vmem>> -> memref<1x32x128xf32, #tpu.memory_space<vmem>>
    %dma_wait3A_806 = tpu.memref_squeeze %dma_wait3A_805 : memref<1x32x128xf32, #tpu.memory_space<vmem>> -> memref<32x128xf32, #tpu.memory_space<vmem>>
    %dma_wait3A_807 = arith.constant 16384 : i32
    %dma_wait3A_808 = arith.constant 0 : i32
    %dma_wait3A_809 = tpu.memref_slice %arg4[%dma_wait3A_807, %dma_wait3A_808] : memref<17408x128xf32, #tpu.memory_space<hbm>> -> memref<32x128xf32, #tpu.memory_space<hbm>>
    tpu.wait_dma2 semaphore(%arg14 : memref<!tpu.dma_semaphore, #tpu.memory_space<semaphore_mem>>) src(%dma_wait3A_809 : memref<32x128xf32, #tpu.memory_space<hbm>>) dst(%dma_wait3A_806 : memref<32x128xf32, #tpu.memory_space<vmem>>)
    return
  }
}

</mosaic_0001>

<sc_bundles>
// kernel: kernel.3.cloned.1.call-start
scs
__scs_entry_jumppad:
0x0: {  	(pc) =	sbr.rel $0x88, $3  }
0x1: {  	(tag) =	ssettag $0x0;
	lr =	simm.s32 $0x1  }
0x2: {  	[smem:$0x3F9F] =	sst lr;
	_ =	strace $0xD0000000  }
0x3: {  	_ = 	snop  }
0x4: {  	_ = 	snop  }
0x5: {  	_ = 	snop  }
0x6: {  	_ = 	snop  }
0x7: {  	_ = 	snop  }
__scs_overlays_trampoline_lowered:
0x8: {  	[smem:$0x3FAE] =	sst s0  }
0x9: {  	[smem:$0x3FAF] =	sst s1  }
0xa: {  	[smem:$0x3FB0] =	sst s2  }
0xb: {  	[smem:$0x3FB1] =	sst s3  }
0xc: {  	[smem:$0x3FB2] =	sst s4  }
0xd: {  	[smem:$0x3FB3] =	sst s5  }
0xe: {  	[smem:$0x3FB4] =	sst s6  }
0xf: {  	[smem:$0x3FB5] =	sst s7  }
0x10: {  	[smem:$0x3FB6] =	sst s8  }
0x11: {  	[smem:$0x3FB7] =	sst s9;
	s0 =	simm.s32 @!p0 $0x0  }
0x12: {  	s1 =	sld [smem:$0x3F9D];
	s0 =	simm.s32 @p0 $0x1  }
0x13: {  	[smem:$0x3FB8] =	sst s0;
	s0 =	simm.s32 @!p1 $0x0  }
0x14: {  	s2 =	sld [smem:$0x3F9C];
	s0 =	simm.s32 @p1 $0x1  }
0x15: {  	[smem:$0x3FB9] =	sst s0;
	s0 =	simm.s32 @!p2 $0x0  }
0x16: {  	s3 =	sld [smem:$0x3FDB];
	s0 =	simm.s32 @p2 $0x1  }
0x17: {  	s4 =	simm.s32 $0x1BF5;
	[smem:$0x3FBB] =	sst s0  }
0x18: {  	s0 =	sld [smem:$0x3F9E];
	_ =	swait.ge [sflag:s4], $0x0  }
0x19: {  	s7 =	sld [smem:$0x3F9F]  }
0x1a: {  	s8 =	sadd.s32 $0xFFFFE003, lr  }
0x1b: {  	s9 =	sadd.s32 $0xFFFFFEF7, lr;
	s5 =	simm.s32 $0xFFFFFFFF;
	p2 =	slt.u32 s8, $0xFFFFF086  }
0x1c: {  	p1 =	slt.u32 s9, $0xF7A;
	s5 =	simm.s32 @!p2 $0x0  }
0x1d: {  	s5 =	simm.s32 @p1 $0x1;
	p0 =	seq.s32 s7, s2  }
0x1e: {  	s7 =	smul.u32 @!p0 $0xF7A, s2;
	p2 =	seq.s32 @!p0 s5, $0x0  }
0x1f: {  	s9 =	smul.u32 $0xF7A, s1;
	s8 =	simm.s32 @!p0 $0x1BF5;
	p2 =	por !p2, p0  }
0x20: {  	[sflag:s8] =	ssyncset.s32 @!p0 $0xFFFFF086;
	s6 =	sadd.s32 @!p0 s3, s7;
	s7 =	simm.s32 @!p0 $0x108  }
0x21: {  	s3 =	sadd.s32 s3, s9;
	s6 =	sadd.s32 @!p0 $0x88, s6;
	s7 =	simm.s32 @p2 $0x1082  }
0x22: {  	[simem:s7], [sflag:s8] =	dma.local @!p0 [hbm:s6], $0xF7A  }
0x23: {  	s9 =	sor.u32 $0xD0000000, s2;
	s6 =	simm.s32 $0x108;
	_ =	swait.ge @!p0 [sflag:s8], $0x0  }
0x24: {  	s3 =	sadd.s32 $0x88, s3;
	s6 =	simm.s32 @!p1 $0x1082;
	[sflag:s4] =	ssyncset.s32 $0xFFFFF086  }
0x25: {  	[simem:s6], [sflag:s4] =	dma.local [hbm:s3], $0xF7A  }
0x26: {  	[smem:$0x3F9F] =	sst s1;
	(tag) =	ssettag s2;
	_ =	strace s9  }
0x27: {  	s1 =	sld [smem:$0x3FAF]  }
0x28: {  	s2 =	sld [smem:$0x3FB0]  }
0x29: {  	s4 =	sld [smem:$0x3FB2]  }
0x2a: {  	p0 =	seq.s32 s5, $0x0;
	s5 =	sld [smem:$0x3FB3]  }
0x2b: {  	s6 =	sld [smem:$0x3FB4]  }
0x2c: {  	s7 =	sld [smem:$0x3FB5]  }
0x2d: {  	s3 =	simm.s32 $0x108;
	s8 =	sld [smem:$0x3FB6]  }
0x2e: {  	s3 =	simm.s32 @!p0 $0x1082;
	s9 =	sld [smem:$0x3FB7]  }
0x2f: {  	lr =	sadd.s32 s0, s3;
	s0 =	sld [smem:$0x3FAE]  }
0x30: {  	s3 =	sld [smem:$0x3FB1]  }
0x31: {  	[smem:$0x3FBA] =	sst s10  }
0x32: {  	s10 =	sld [smem:$0x3FB8];
	_ =	sdelay $0x3  }
0x33: {  	p0 =	seq.s32 s10, $0x1;
	s10 =	sld [smem:$0x3FBA];
	_ =	sdelay $0x3  }
0x34: {  	[smem:$0x3FBA] =	sst s10  }
0x35: {  	s10 =	sld [smem:$0x3FB9];
	_ =	sdelay $0x3  }
0x36: {  	p1 =	seq.s32 s10, $0x1;
	s10 =	sld [smem:$0x3FBA];
	_ =	sdelay $0x3  }
0x37: {  	[smem:$0x3FBA] =	sst s10  }
0x38: {  	s10 =	sld [smem:$0x3FBB]  }
0x39: {  	_ = 	snop;
	(pc) =	sbr.ind lr, $3  }
0x3a: {  	_ = 	snop  }
0x3b: {  	_ = 	snop  }
0x3c: {  	p2 =	seq.s32 s10, $0x1;
	s10 =	sld [smem:$0x3FBA]  }
0x3d: {  	_ =	shalt  }
0x3e: {  	_ =	shalt  }
0x3f: {  	_ =	shalt  }
0x40: {  	_ =	shalt  }
0x41: {  	_ =	shalt  }
0x42: {  	_ =	shalt  }
0x43: {  	_ =	shalt  }
0x44: {  	_ =	shalt  }
0x45: {  	_ =	shalt  }
0x46: {  	_ =	shalt  }
0x47: {  	_ =	shalt  }
0x48: {  	_ =	shalt  }
0x49: {  	_ =	shalt  }
0x4a: {  	_ =	shalt  }
0x4b: {  	_ =	shalt  }
0x4c: {  	_ =	shalt  }
0x4d: {  	_ =	shalt  }
0x4e: {  	_ =	shalt  }
0x4f: {  	_ =	shalt  }
0x50: {  	_ =	shalt  }
0x51: {  	_ =	shalt  }
0x52: {  	_ =	shalt  }
0x53: {  	_ =	shalt  }
0x54: {  	_ =	shalt  }
0x55: {  	_ =	shalt  }
0x56: {  	_ =	shalt  }
0x57: {  	_ =	shalt  }
0x58: {  	_ =	shalt  }
0x59: {  	_ =	shalt  }
0x5a: {  	_ =	shalt  }
0x5b: {  	_ =	shalt  }
0x5c: {  	_ =	shalt  }
0x5d: {  	_ =	shalt  }
0x5e: {  	_ =	shalt  }
0x5f: {  	_ =	shalt  }
0x60: {  	_ =	shalt  }
0x61: {  	_ =	shalt  }
0x62: {  	_ =	shalt  }
0x63: {  	_ =	shalt  }
0x64: {  	_ =	shalt  }
0x65: {  	_ =	shalt  }
0x66: {  	_ =	shalt  }
0x67: {  	_ =	shalt  }
0x68: {  	_ =	shalt  }
0x69: {  	_ =	shalt  }
0x6a: {  	_ =	shalt  }
0x6b: {  	_ =	shalt  }
0x6c: {  	_ =	shalt  }
0x6d: {  	_ =	shalt  }
0x6e: {  	_ =	shalt  }
0x6f: {  	_ =	shalt  }
0x70: {  	_ =	shalt  }
0x71: {  	_ =	shalt  }
0x72: {  	_ =	shalt  }
0x73: {  	_ =	shalt  }
0x74: {  	_ =	shalt  }
0x75: {  	_ =	shalt  }
0x76: {  	_ =	shalt  }
0x77: {  	_ =	shalt  }
0x78: {  	_ =	shalt  }
0x79: {  	_ =	shalt  }
0x7a: {  	_ =	shalt  }
0x7b: {  	_ =	shalt  }
0x7c: {  	_ =	shalt  }
0x7d: {  	_ =	shalt  }
0x7e: {  	_ =	shalt  }
0x7f: {  	_ =	shalt  }
0x80: {  	_ =	shalt  }
0x81: {  	_ =	shalt  }
0x82: {  	_ =	shalt  }
0x83: {  	_ =	shalt  }
0x84: {  	_ =	shalt  }
0x85: {  	_ =	shalt  }
0x86: {  	_ =	shalt  }
0x87: {  	_ =	shalt  }
.Lfunc_end0:
.L_simem_size_0:
called_computation_lowered:
.L_overlay_start_0:
0x88: {  	s2 =	sld [smem:$0x3FD9]  }
0x89: {  	s3 =	sld [smem:$0x3FFE];
	_ =	sdelay $0x1  }
0x8a: {  	s1 =	srdreg.scid  }
0x8b: {  	s0 =	sand.u32 $0x1, s1  }
0x8c: {  	s17 =	sshll.u32 s0, $0xA;
	s2 =	sadd.s32 s3, s2  }
0x8d: {  	s2 =	sadd.s32 s2, s17  }
0x8e: {  	[smem:$0x3FC6] =	sst s2  }
0x8f: {  	_ = 	snop  }
0x90: {  	s2 =	sld [smem:$0x3FC9]  }
0x91: {  	s18 =	sld [smem:$0x3FC8];
	(tm) =	ssettm $0x1  }
0x92: {  	s4 =	sld [smem:$0x3FFB];
	_ =	sdelay $0x3  }
0x93: {  	_ =	strace s4  }
0x94: {  	s4 =	sld [smem:$0x3FFC];
	_ =	sdelay $0x3  }
0x95: {  	_ =	strace s4  }
0x96: {  	s4 =	sld [smem:$0x3FFD];
	_ =	sdelay $0x3  }
0x97: {  	_ =	strace s4  }
0x98: {  	_ =	strace $0x8FFFFFFF  }
0x99: {  	s19 =	sld [smem:$0x3FDB];
	_ =	sdelay $0x1  }
0x9a: {  	s5 =	simm.s32 $_scs_section_size  }
0x9b: {  	s6 =	simm.s32 $_size__tile_overlayer_lowered;
	s7 =	simm.s32 $_tile_overlayer_lowered  }
0x9c: {  	s22 =	simm.s32 $0x1BFF;
	s21 =	sshll.u32 s7, $0x1;
	s4 =	sadd.s32 s5, s19  }
0x9d: {  	s8 =	simm.s32 $0x0;
	s20 =	sshll.u32 s6, $0x1;
	s6 =	sadd.s32 s21, s4  }
0x9e: {  	[timem:s8], [sflag:s22] =	dma.local [hbm:s6], s20  }
0x9f: {  	_ =	swait.ge [sflag:s22], s20  }
0xa0: {  	s5 =	ssub.s32 $0x0, s20;
	[sflag:s22] =	ssyncset.done $0x0  }
0xa1: {  	[sflag:s22] =	ssyncadd.s32 s5;
	_ =	sdelay $0x1  }
0xa2: {  	s23 =	simm.s32 $0x1B8B  }
0xa3: {  	_ =	swait.ge [sflag:s23], $0x1  }
0xa4: {  	[sflag:s23] =	ssyncset.done $0x0  }
0xa5: {  	s25 =	simm.s32 $0x1B8E;
	s24 =	sld [smem:$0x3FFE];
	[sflag:s23] =	ssyncadd.s32 $0xFFFFFFFF  }
0xa6: {  	s26 =	simm.s32 $execute0_lowered;
	[smem:$0x3FD2] =	sst s25  }
0xa7: {  	s6 =	sshll.u32 s26, $0x1;
	_ =	strace $0x80000046;
	[dreg:$0x1] =	wrdreg $0xFFFFFFFF  }
0xa8: {  	s28 =	simm.s32 $_size_execute0_lowered;
	s4 =	sadd.s32 s4, s6;
	[dreg:$0x0] =	wrdreg $0x0  }
0xa9: {  	s6 =	sshll.u32 s28, $0x1;
	[dreg:$0x2] =	wrdreg s4  }
0xaa: {  	[dreg:$0x3] =	wrdreg s6  }
0xab: {  	[dreg:$0x4] =	wrdreg $0xC0  }
0xac: {  	_ =	task [dreg:s8], $0x5FFFF  }
0xad: {  	[dreg:$0x1] =	wrdreg $0xFFFFFFFF  }
0xae: {  	[dreg:$0x0] =	wrdreg $0x60  }
0xaf: {  	[dreg:$0x2] =	wrdreg s2  }
0xb0: {  	[dreg:$0x3] =	wrdreg s18  }
0xb1: {  	[dreg:$0x4] =	wrdreg s24  }
0xb2: {  	[dreg:$0x5] =	wrdreg $0x9  }
0xb3: {  	_ =	task.clear_ibuf [dreg:s8], $0x6FFFF;
	_ =	strace $0x90000046  }
0xb4: {  	s29 =	simm.s32 $0x9;
	_ =	strace $0x80000048  }
0xb5: {  	_ =	swait.ge [sflag:s29], $0x1  }
0xb6: {  	[sflag:s29] =	ssyncadd.s32 $0xFFFFFFFF  }
0xb7: {  	_ =	strace $0x90000048  }
0xb8: {  	_ =	sfence  }
0xb9: {  	s30 =	sld [smem:$0x0];
	_ =	sdelay $0x2  }
0xba: {  	s31 =	sshll.u32 s1, $0xD;
	s1 =	sshrl.u32 s1, $0x2  }
0xbb: {  	s3 =	sand.u32 $0x4000, s31;
	s1 =	sadd.s32 s1, s30  }
0xbc: {  	s0 =	sor.u32 s3, s0;
	s1 =	sshll.u32 s1, $0x11  }
0xbd: {  	s0 =	sor.u32 s1, s0  }
0xbe: {  	s0 =	sadd.s32 $0x8F2B, s0  }
0xbf: {  	[sflag:s0] =	ssyncadd.remote.s32 $0x1  }
0xc0: {  	_ =	sfence.sel $0xFFFF  }
0xc1: {  	[dreg:$0x0] =	wrdreg $0xFFFFFFFF;
	(pc) =	sbr.abs _section_cstart, $3  }
0xc2: {  	[dreg:$0x1] =	wrdreg $0xFFFFFFFF  }
0xc3: {  	_ =	task.clear_ibuf [dreg:s8], $0x2FFFF;
	_ =	strace $0x9FFFFFFF  }
0xc4: {  	(tm) =	ssettm $0x7FFFFFFF  }
0xc5: {  	_ =	shalt  }
tec
execute0_lowered:
.L_overlay_start_1:
0x0: {  	(tag) =	ssettag $0x1  }
0x1: {  	s1 =	rddreg [dreg:$0x0]  }
0x2: {  	s3 =	rddreg [dreg:$0x1];
	s4 =	stileid.u32  }
0x3: {  	s0 =	rddreg [dreg:$0x2];
	s5 =	sshll.u32 s4, $0x1;
	s4 =	simm.s32 $0x0  }
0x4: {  	s9 =	sadd.s32 $0x40400, s0;
	[smem:$0x7FF] =	sst s4  }
0x5: {  	s22 =	sadd.s32 $0x40410, s0;
	_ =	strace $0x80000047;
	[dreg:$0x4] =	wrdreg s9  }
0x6: {  	s23 =	sadd.s32 $0x40420, s0;
	[dreg:$0x5] =	wrdreg s22  }
0x7: {  	s24 =	sadd.s32 $0x40430, s0;
	[dreg:$0x6] =	wrdreg s23  }
0x8: {  	s25 =	sadd.s32 $0x40440, s0;
	[dreg:$0x7] =	wrdreg s24  }
0x9: {  	s26 =	sadd.s32 $0x40450, s0;
	[dreg:$0x8] =	wrdreg s25  }
0xa: {  	s10 =	sadd.s32 $0x40460, s0;
	[dreg:$0x9] =	wrdreg s26  }
0xb: {  	s11 =	sadd.s32 $0x40470, s0;
	[dreg:$0xa] =	wrdreg s10  }
0xc: {  	s12 =	sadd.s32 $0x40480, s0;
	[dreg:$0xb] =	wrdreg s11  }
0xd: {  	s13 =	sadd.s32 $0x40490, s0;
	[dreg:$0xc] =	wrdreg s12  }
0xe: {  	s14 =	sadd.s32 $0x404A0, s0;
	[dreg:$0xd] =	wrdreg s13  }
0xf: {  	s15 =	sadd.s32 $0x404B0, s0;
	[dreg:$0xe] =	wrdreg s14  }
0x10: {  	s16 =	sadd.s32 $0x404C0, s0;
	[dreg:$0xf] =	wrdreg s15  }
0x11: {  	s17 =	sadd.s32 $0x404D0, s0;
	[dreg:$0x10] =	wrdreg s16  }
0x12: {  	s18 =	sadd.s32 $0x404E0, s0;
	[dreg:$0x11] =	wrdreg s17  }
0x13: {  	s19 =	sadd.s32 $0x404F0, s0;
	[dreg:$0x12] =	wrdreg s18  }
0x14: {  	s20 =	sadd.s32 $0x40500, s0;
	[dreg:$0x13] =	wrdreg s19  }
0x15: {  	s21 =	sadd.s32 $0x40510, s0;
	[dreg:$0x14] =	wrdreg s20  }
0x16: {  	[dreg:$0x15] =	wrdreg s21;
	s22 =	sadd.s32 $0x40520, s0  }
0x17: {  	s23 =	sadd.s32 $0x40530, s0;
	[dreg:$0x16] =	wrdreg s22  }
0x18: {  	s24 =	sadd.s32 $0x40540, s0;
	[dreg:$0x17] =	wrdreg s23  }
0x19: {  	s25 =	sadd.s32 $0x40550, s0;
	[dreg:$0x18] =	wrdreg s24  }
0x1a: {  	s26 =	sadd.s32 $0x40560, s0;
	[dreg:$0x19] =	wrdreg s25  }
0x1b: {  	s10 =	sadd.s32 $0x40570, s0;
	[dreg:$0x1a] =	wrdreg s26  }
0x1c: {  	s11 =	sadd.s32 $0x40580, s0;
	[dreg:$0x1b] =	wrdreg s10  }
0x1d: {  	s12 =	sadd.s32 $0x40590, s0;
	[dreg:$0x1c] =	wrdreg s11  }
0x1e: {  	s13 =	sadd.s32 $0x405A0, s0;
	[dreg:$0x1d] =	wrdreg s12  }
0x1f: {  	s14 =	sadd.s32 $0x405B0, s0;
	[dreg:$0x1e] =	wrdreg s13  }
0x20: {  	s15 =	sadd.s32 $0x405C0, s0;
	[dreg:$0x1f] =	wrdreg s14  }
0x21: {  	s16 =	sadd.s32 $0x405D0, s0;
	[smem:$0x7C5] =	sst s15  }
0x22: {  	s17 =	sadd.s32 $0x405E0, s0;
	[smem:$0x7C6] =	sst s16  }
0x23: {  	s18 =	sadd.s32 $0x405F0, s0;
	[smem:$0x7C7] =	sst s17  }
0x24: {  	s19 =	sadd.s32 $0x40600, s0;
	[smem:$0x7C8] =	sst s18  }
0x25: {  	s20 =	sadd.s32 $0x40610, s0;
	[smem:$0x7C9] =	sst s19  }
0x26: {  	s21 =	sadd.s32 $0x40620, s0;
	[smem:$0x7CA] =	sst s20  }
0x27: {  	[smem:$0x7CB] =	sst s21;
	s22 =	sadd.s32 $0x40630, s0  }
0x28: {  	s23 =	sadd.s32 $0x40640, s0;
	[smem:$0x7CC] =	sst s22  }
0x29: {  	s24 =	sadd.s32 $0x40650, s0;
	[smem:$0x7CD] =	sst s23  }
0x2a: {  	s25 =	sadd.s32 $0x40660, s0;
	[smem:$0x7CE] =	sst s24  }
0x2b: {  	s26 =	sadd.s32 $0x40670, s0;
	[smem:$0x7CF] =	sst s25  }
0x2c: {  	s10 =	sadd.s32 $0x40680, s0;
	[smem:$0x7D0] =	sst s26  }
0x2d: {  	s11 =	sadd.s32 $0x40690, s0;
	[smem:$0x7D1] =	sst s10  }
0x2e: {  	s12 =	sadd.s32 $0x406A0, s0;
	[smem:$0x7D2] =	sst s11  }
0x2f: {  	s13 =	sadd.s32 $0x406B0, s0;
	[smem:$0x7D3] =	sst s12  }
0x30: {  	s14 =	sadd.s32 $0x406C0, s0;
	[smem:$0x7D4] =	sst s13  }
0x31: {  	s15 =	sadd.s32 $0x406D0, s0;
	[smem:$0x7D5] =	sst s14  }
0x32: {  	s16 =	sadd.s32 $0x406E0, s0;
	[smem:$0x7D6] =	sst s15  }
0x33: {  	s17 =	sadd.s32 $0x406F0, s0;
	[smem:$0x7D7] =	sst s16  }
0x34: {  	s18 =	sadd.s32 $0x40700, s0;
	[smem:$0x7D8] =	sst s17  }
0x35: {  	s19 =	sadd.s32 $0x40710, s0;
	[smem:$0x7D9] =	sst s18  }
0x36: {  	s20 =	sadd.s32 $0x40720, s0;
	[smem:$0x7DA] =	sst s19  }
0x37: {  	s21 =	sadd.s32 $0x40730, s0;
	[smem:$0x7DB] =	sst s20  }
0x38: {  	[smem:$0x7DC] =	sst s21;
	s22 =	sadd.s32 $0x40740, s0  }
0x39: {  	s23 =	sadd.s32 $0x40750, s0;
	[smem:$0x7DD] =	sst s22  }
0x3a: {  	s24 =	sadd.s32 $0x40760, s0;
	[smem:$0x7DE] =	sst s23  }
0x3b: {  	s25 =	sadd.s32 $0x40770, s0;
	[smem:$0x7DF] =	sst s24  }
0x3c: {  	s2 =	srdreg.scid;
	s26 =	sadd.s32 $0x40780, s0;
	[smem:$0x7E0] =	sst s25  }
0x3d: {  	s29 =	simm.s32 $0x1B700;
	s10 =	sadd.s32 $0x40790, s0;
	[smem:$0x7E1] =	sst s26  }
0x3e: {  	s2 =	sand.u32 $0x1, s2;
	s11 =	sadd.s32 $0x407A0, s0;
	[smem:$0x7E2] =	sst s10  }
0x3f: {  	s8 =	sor.u32 s2, s5;
	s12 =	sadd.s32 $0x407B0, s0;
	[smem:$0x7E3] =	sst s11  }
0x40: {  	s2 =	ssub.s32 $0x2, s2;
	s13 =	sadd.s32 $0x407C0, s0;
	[smem:$0x7E4] =	sst s12  }
0x41: {  	s5 =	sadd.s32 $0x400, s0;
	s14 =	sadd.s32 $0x407D0, s0;
	[smem:$0x7E5] =	sst s13  }
0x42: {  	s6 =	sshrl.u32 s2, $0x1;
	s15 =	sadd.s32 $0x407E0, s0;
	[smem:$0x7E6] =	sst s14  }
0x43: {  	s2 =	ssub.s32 s2, s6;
	s0 =	sadd.s32 $0x407F0, s0;
	[smem:$0x7E7] =	sst s15  }
0x44: {  	s30 =	simm.s32 $0x400;
	s2 =	smax.u32 s2, $0x1;
	[smem:$0x7E8] =	sst s0  }
0x45: {  	s31 =	simm.s32 $0x7A1400;
	[smem:$0x7EC] =	sst s2;
	s10 =	sadd.s32 $0x10, s1  }
0x46: {  	s7 =	smul.u32 $0x1E85, s8;
	s11 =	sadd.s32 $0x20, s1;
	[smem:$0x7F1] =	sst s10  }
0x47: {  	s28 =	sadd.s32 $0xF0, s1;
	s12 =	sadd.s32 $0x30, s1;
	[smem:$0x7F2] =	sst s11  }
0x48: {  	s6 =	sshrl.u32 s7, $0x5;
	s13 =	sadd.s32 $0x40, s1;
	[smem:$0x7F3] =	sst s12  }
0x49: {  	s16 =	sshll.u32 s6, $0x7;
	s14 =	sadd.s32 $0x50, s1;
	[smem:$0x7F4] =	sst s13  }
0x4a: {  	s23 =	sadd.s32 $0x80, s3;
	s15 =	sadd.s32 $0x60, s1;
	[smem:$0x7F5] =	sst s14  }
0x4b: {  	s25 =	sadd.s32 $0x100, s3;
	s17 =	sadd.s32 s16, s23;
	[smem:$0x7F6] =	sst s15  }
0x4c: {  	s26 =	sadd.s32 $0x180, s3;
	s18 =	sadd.s32 s16, s25;
	[smem:$0x7E9] =	sst s17  }
0x4d: {  	s8 =	sshll.u32 s8, $0x5;
	s19 =	sadd.s32 s16, s26;
	[smem:$0x7EA] =	sst s18  }
0x4e: {  	s22 =	sadd.s32 s3, s16;
	s16 =	sadd.s32 $0x70, s1;
	[smem:$0x7EB] =	sst s19  }
0x4f: {  	s7 =	sadd.s32 $0x1E85, s7;
	s20 =	sadd.s32 $0x200, s22;
	[smem:$0x7F7] =	sst s16  }
0x50: {  	s7 =	sshrl.u32 s7, $0x5;
	s21 =	sadd.s32 $0x280, s22;
	[smem:$0x7ED] =	sst s20  }
0x51: {  	s0 =	sor.u32 $0x4000, s8;
	s24 =	sadd.s32 $0x300, s22;
	[smem:$0x7EE] =	sst s21  }
0x52: {  	s8 =	sor.u32 $0x4010, s8;
	s9 =	sadd.s32 $0x380, s22;
	[smem:$0x7EF] =	sst s24  }
0x53: {  	v0 =	vlaneseq.u32;
	s2 =	simm.s32 $0x1000;
	s17 =	sadd.s32 $0x80, s1;
	[smem:$0x7F0] =	sst s9  }
0x54: {  	v1 =	vor.u32 s0, v0;
	s0 =	simm.s32 $0x1;
	s18 =	sadd.s32 $0x90, s1;
	[smem:$0x7F8] =	sst s17  }
.Ltmp0:
0x55: {  	s19 =	sadd.s32 $0xA0, s1;
	[smem:$0x7F9] =	sst s18;
	(pc) =	sbr.rel .LBB2_1-.Ltmp0, $4  }
0x56: {  	v3 =	vmul.u32 $0x80, v0;
	v2 =	vor.u32 s8, v0;
	s8 =	simm.s32 $0x3;
	[smem:$0x7FA] =	sst s19;
	s20 =	sadd.s32 $0xB0, s1  }
0x57: {  	s10 =	simm.s32 $0x20;
	s21 =	sadd.s32 $0xC0, s1;
	[smem:$0x7FB] =	sst s20  }
0x58: {  	v6 =	vimm.s32 $0xF4281;
	v7 =	vor.u32 $0x800, v3;
	v8 =	vor.u32 $0x1000, v3;
	s11 =	simm.s32 $0x0;
	s24 =	sadd.s32 $0xD0, s1;
	[smem:$0x7FC] =	sst s21  }
0x59: {  	v9 =	vor.u32 $0x1800, v3;
	v4 =	vmov s6;
	v5 =	vmov s7;
	s9 =	simm.s32 $0x2;
	[smem:$0x7FD] =	sst s24;
	s24 =	sadd.s32 $0xE0, s1  }
.LBB2_11:
0x5a: {  	_ =	swait.ge [sflag:s9], $0x2000  }
0x5b: {  	[sflag:s9] =	ssyncset.done $0x0  }
0x5c: {  	[sflag:s9] =	ssyncadd.s32 $0xFFFFE000  }
0x5d: {  	_ =	swait.ge [sflag:s9], $0x2000  }
0x5e: {  	[sflag:s9] =	ssyncset.done $0x0  }
0x5f: {  	[sflag:s9] =	ssyncadd.s32 $0xFFFFE000  }
0x60: {  	_ =	swait.ge [sflag:s9], $0x2000  }
0x61: {  	[sflag:s9] =	ssyncset.done $0x0  }
0x62: {  	[sflag:s9] =	ssyncadd.s32 $0xFFFFE000  }
0x63: {  	_ =	swait.ge [sflag:s9], $0x2000  }
0x64: {  	[sflag:s9] =	ssyncset.done $0x0  }
0x65: {  	[sflag:s9] =	ssyncadd.s32 $0xFFFFE000  }
0x66: {  	_ =	swait.ge [sflag:s9], $0x2000  }
0x67: {  	[sflag:s9] =	ssyncset.done $0x0  }
0x68: {  	[sflag:s9] =	ssyncadd.s32 $0xFFFFE000  }
0x69: {  	_ =	swait.ge [sflag:s9], $0x2000  }
0x6a: {  	[sflag:s9] =	ssyncset.done $0x0  }
0x6b: {  	[sflag:s9] =	ssyncadd.s32 $0xFFFFE000  }
0x6c: {  	_ =	swait.ge [sflag:s9], $0x2000  }
0x6d: {  	[sflag:s9] =	ssyncset.done $0x0  }
0x6e: {  	[sflag:s9] =	ssyncadd.s32 $0xFFFFE000  }
0x6f: {  	_ =	swait.ge [sflag:s9], $0x2000  }
0x70: {  	[sflag:s9] =	ssyncset.done $0x0  }
0x71: {  	[sflag:s9] =	ssyncadd.s32 $0xFFFFE000  }
0x72: {  	_ =	swait.ge [sflag:s8], $0x1000  }
0x73: {  	[sflag:s8] =	ssyncset.done $0x0  }
0x74: {  	[sflag:s8] =	ssyncadd.s32 $0xFFFFF000  }
0x75: {  	_ =	swait.ge [sflag:s8], $0x1000  }
0x76: {  	s12 =	sld [smem:$0x7EC];
	_ =	sdelay $0x1  }
0x77: {  	s11 =	sadd.s32 $0x1, s11  }
0x78: {  	p0 =	sne.s32 s11, s12  }
.Ltmp1:
0x79: {  	_ = 	snop;
	(pc) =	sbr.rel @!p0 .LBB2_12-.Ltmp1, $3  }
0x7a: {  	_ =	sdelay $0x1  }
0x7b: {  	[sflag:s8] =	ssyncset.done $0x0  }
0x7c: {  	[sflag:s8] =	ssyncadd.s32 $0xFFFFF000  }
.LBB2_1:
0x7d: {  	[tilespmem:$0x19000] =	vst v6  }
0x7e: {  	[tilespmem:$0x19010] =	vst v6  }
0x7f: {  	[tilespmem:$0x19020] =	vst v6  }
0x80: {  	[tilespmem:$0x19030] =	vst v6  }
0x81: {  	[tilespmem:$0x19040] =	vst v6  }
0x82: {  	[tilespmem:$0x19050] =	vst v6  }
0x83: {  	[tilespmem:$0x19060] =	vst v6  }
0x84: {  	[tilespmem:$0x19070] =	vst v6  }
0x85: {  	[tilespmem:$0x19080] =	vst v6  }
0x86: {  	[tilespmem:$0x19090] =	vst v6  }
0x87: {  	[tilespmem:$0x190A0] =	vst v6  }
0x88: {  	[tilespmem:$0x190B0] =	vst v6  }
0x89: {  	[tilespmem:$0x190C0] =	vst v6  }
0x8a: {  	[tilespmem:$0x190D0] =	vst v6  }
0x8b: {  	[tilespmem:$0x190E0] =	vst v6  }
0x8c: {  	[tilespmem:$0x190F0] =	vst v6  }
0x8d: {  	[tilespmem:$0x19100] =	vst v6  }
0x8e: {  	[tilespmem:$0x19110] =	vst v6  }
0x8f: {  	[tilespmem:$0x19120] =	vst v6  }
0x90: {  	[tilespmem:$0x19130] =	vst v6  }
0x91: {  	[tilespmem:$0x19140] =	vst v6  }
0x92: {  	[tilespmem:$0x19150] =	vst v6  }
0x93: {  	[tilespmem:$0x19160] =	vst v6  }
0x94: {  	[tilespmem:$0x19170] =	vst v6  }
0x95: {  	[tilespmem:$0x19180] =	vst v6  }
0x96: {  	[tilespmem:$0x19190] =	vst v6  }
0x97: {  	[tilespmem:$0x191A0] =	vst v6  }
0x98: {  	[tilespmem:$0x191B0] =	vst v6  }
0x99: {  	[tilespmem:$0x191C0] =	vst v6  }
0x9a: {  	[tilespmem:$0x191D0] =	vst v6  }
0x9b: {  	[tilespmem:$0x191E0] =	vst v6  }
0x9c: {  	[tilespmem:$0x191F0] =	vst v6  }
0x9d: {  	[tilespmem:$0x19200] =	vst v6  }
0x9e: {  	[tilespmem:$0x19210] =	vst v6  }
0x9f: {  	[tilespmem:$0x19220] =	vst v6  }
0xa0: {  	[tilespmem:$0x19230] =	vst v6  }
0xa1: {  	[tilespmem:$0x19240] =	vst v6  }
0xa2: {  	[tilespmem:$0x19250] =	vst v6  }
0xa3: {  	[tilespmem:$0x19260] =	vst v6  }
0xa4: {  	[tilespmem:$0x19270] =	vst v6  }
0xa5: {  	[tilespmem:$0x19280] =	vst v6  }
0xa6: {  	[tilespmem:$0x19290] =	vst v6  }
0xa7: {  	[tilespmem:$0x192A0] =	vst v6  }
0xa8: {  	[tilespmem:$0x192B0] =	vst v6;
	s12 =	rddreg [dreg:$0x4]  }
0xa9: {  	[tilespmem:$0x192C0] =	vst v6;
	s15 =	rddreg [dreg:$0x5]  }
0xaa: {  	[tilespmem:s29], [sflag:$0x3] =	stream.linear.gather [hbm4b:s12+s4], $0x80, $0x38;
	[tilespmem:$0x1B780] =	vst v63  }
0xab: {  	s16 =	rddreg [dreg:$0x6]  }
0xac: {  	[tilespmem:s29], [sflag:$0x3] =	stream.linear.gather [hbm4b:s15+s4], $0x80, $0x38;
	[tilespmem:$0x1B780] =	vst v63  }
0xad: {  	s17 =	rddreg [dreg:$0x7]  }
0xae: {  	[tilespmem:s29], [sflag:$0x3] =	stream.linear.gather [hbm4b:s16+s4], $0x80, $0x38;
	[tilespmem:$0x1B780] =	vst v63  }
0xaf: {  	s18 =	rddreg [dreg:$0x8]  }
0xb0: {  	[tilespmem:s29], [sflag:$0x3] =	stream.linear.gather [hbm4b:s17+s4], $0x80, $0x38;
	[tilespmem:$0x1B780] =	vst v63  }
0xb1: {  	s19 =	rddreg [dreg:$0x9]  }
0xb2: {  	[tilespmem:s29], [sflag:$0x3] =	stream.linear.gather [hbm4b:s18+s4], $0x80, $0x38;
	[tilespmem:$0x1B780] =	vst v63  }
0xb3: {  	s20 =	rddreg [dreg:$0xa]  }
0xb4: {  	[tilespmem:s29], [sflag:$0x3] =	stream.linear.gather [hbm4b:s19+s4], $0x80, $0x38;
	[tilespmem:$0x1B780] =	vst v63  }
0xb5: {  	s21 =	rddreg [dreg:$0xb]  }
0xb6: {  	[tilespmem:s29], [sflag:$0x3] =	stream.linear.gather [hbm4b:s20+s4], $0x80, $0x38;
	[tilespmem:$0x1B780] =	vst v63  }
0xb7: {  	s13 =	rddreg [dreg:$0xc]  }
0xb8: {  	[tilespmem:s29], [sflag:$0x3] =	stream.linear.gather [hbm4b:s21+s4], $0x80, $0x38;
	[tilespmem:$0x1B780] =	vst v63  }
0xb9: {  	s14 =	rddreg [dreg:$0xd]  }
0xba: {  	[tilespmem:s29], [sflag:$0x3] =	stream.linear.gather [hbm4b:s13+s4], $0x80, $0x38;
	[tilespmem:$0x1B780] =	vst v63  }
0xbb: {  	s15 =	rddreg [dreg:$0xe]  }
0xbc: {  	[tilespmem:s29], [sflag:$0x3] =	stream.linear.gather [hbm4b:s14+s4], $0x80, $0x38;
	[tilespmem:$0x1B780] =	vst v63  }
0xbd: {  	s16 =	rddreg [dreg:$0xf]  }
0xbe: {  	[tilespmem:s29], [sflag:$0x3] =	stream.linear.gather [hbm4b:s15+s4], $0x80, $0x38;
	[tilespmem:$0x1B780] =	vst v63  }
0xbf: {  	s17 =	rddreg [dreg:$0x10]  }
0xc0: {  	[tilespmem:s29], [sflag:$0x3] =	stream.linear.gather [hbm4b:s16+s4], $0x80, $0x38;
	[tilespmem:$0x1B780] =	vst v63  }
0xc1: {  	s18 =	rddreg [dreg:$0x11]  }
0xc2: {  	[tilespmem:s29], [sflag:$0x3] =	stream.linear.gather [hbm4b:s17+s4], $0x80, $0x38;
	[tilespmem:$0x1B780] =	vst v63  }
0xc3: {  	s19 =	rddreg [dreg:$0x12]  }
0xc4: {  	[tilespmem:s29], [sflag:$0x3] =	stream.linear.gather [hbm4b:s18+s4], $0x80, $0x38;
	[tilespmem:$0x1B780] =	vst v63  }
0xc5: {  	s20 =	rddreg [dreg:$0x13]  }
0xc6: {  	[tilespmem:s29], [sflag:$0x3] =	stream.linear.gather [hbm4b:s19+s4], $0x80, $0x38;
	[tilespmem:$0x1B780] =	vst v63  }
0xc7: {  	s21 =	rddreg [dreg:$0x14]  }
0xc8: {  	[tilespmem:s29], [sflag:$0x3] =	stream.linear.gather [hbm4b:s20+s4], $0x80, $0x38;
	[tilespmem:$0x1B780] =	vst v63  }
0xc9: {  	s13 =	rddreg [dreg:$0x15]  }
0xca: {  	[tilespmem:s29], [sflag:$0x3] =	stream.linear.gather [hbm4b:s21+s4], $0x80, $0x38;
	[tilespmem:$0x1B780] =	vst v63  }
0xcb: {  	s14 =	rddreg [dreg:$0x16]  }
0xcc: {  	[tilespmem:s29], [sflag:$0x3] =	stream.linear.gather [hbm4b:s13+s4], $0x80, $0x38;
	[tilespmem:$0x1B780] =	vst v63  }
0xcd: {  	s15 =	rddreg [dreg:$0x17]  }
0xce: {  	[tilespmem:s29], [sflag:$0x3] =	stream.linear.gather [hbm4b:s14+s4], $0x80, $0x38;
	[tilespmem:$0x1B780] =	vst v63  }
0xcf: {  	s16 =	rddreg [dreg:$0x18]  }
0xd0: {  	[tilespmem:s29], [sflag:$0x3] =	stream.linear.gather [hbm4b:s15+s4], $0x80, $0x38;
	[tilespmem:$0x1B780] =	vst v63  }
0xd1: {  	s17 =	rddreg [dreg:$0x19]  }
0xd2: {  	[tilespmem:s29], [sflag:$0x3] =	stream.linear.gather [hbm4b:s16+s4], $0x80, $0x38;
	[tilespmem:$0x1B780] =	vst v63  }
0xd3: {  	s18 =	rddreg [dreg:$0x1a]  }
0xd4: {  	[tilespmem:s29], [sflag:$0x3] =	stream.linear.gather [hbm4b:s17+s4], $0x80, $0x38;
	[tilespmem:$0x1B780] =	vst v63  }
0xd5: {  	s19 =	rddreg [dreg:$0x1b]  }
0xd6: {  	[tilespmem:s29], [sflag:$0x3] =	stream.linear.gather [hbm4b:s18+s4], $0x80, $0x38;
	[tilespmem:$0x1B780] =	vst v63  }
0xd7: {  	s20 =	rddreg [dreg:$0x1c]  }
0xd8: {  	[tilespmem:s29], [sflag:$0x3] =	stream.linear.gather [hbm4b:s19+s4], $0x80, $0x38;
	[tilespmem:$0x1B780] =	vst v63  }
0xd9: {  	s21 =	rddreg [dreg:$0x1d]  }
0xda: {  	[tilespmem:s29], [sflag:$0x3] =	stream.linear.gather [hbm4b:s20+s4], $0x80, $0x38;
	[tilespmem:$0x1B780] =	vst v63  }
0xdb: {  	s13 =	rddreg [dreg:$0x1e]  }
0xdc: {  	[tilespmem:s29], [sflag:$0x3] =	stream.linear.gather [hbm4b:s21+s4], $0x80, $0x38;
	[tilespmem:$0x1B780] =	vst v63  }
0xdd: {  	s14 =	rddreg [dreg:$0x1f]  }
0xde: {  	[tilespmem:s29], [sflag:$0x3] =	stream.linear.gather [hbm4b:s13+s4], $0x80, $0x38;
	[tilespmem:$0x1B780] =	vst v63  }
0xdf: {  	s15 =	sld [smem:$0x7C5]  }
0xe0: {  	[tilespmem:s29], [sflag:$0x3] =	stream.linear.gather [hbm4b:s14+s4], $0x80, $0x38;
	[tilespmem:$0x1B780] =	vst v63  }
0xe1: {  	s16 =	sld [smem:$0x7C6]  }
0xe2: {  	[tilespmem:s29], [sflag:$0x3] =	stream.linear.gather [hbm4b:s15+s4], $0x80, $0x38;
	[tilespmem:$0x1B780] =	vst v63  }
0xe3: {  	s17 =	sld [smem:$0x7C7]  }
0xe4: {  	[tilespmem:s29], [sflag:$0x3] =	stream.linear.gather [hbm4b:s16+s4], $0x80, $0x38;
	[tilespmem:$0x1B780] =	vst v63  }
0xe5: {  	s18 =	sld [smem:$0x7C8]  }
0xe6: {  	[tilespmem:s29], [sflag:$0x3] =	stream.linear.gather [hbm4b:s17+s4], $0x80, $0x38;
	[tilespmem:$0x1B780] =	vst v63  }
0xe7: {  	s19 =	sld [smem:$0x7C9]  }
0xe8: {  	[tilespmem:s29], [sflag:$0x3] =	stream.linear.gather [hbm4b:s18+s4], $0x80, $0x38;
	[tilespmem:$0x1B780] =	vst v63  }
0xe9: {  	s20 =	sld [smem:$0x7CA]  }
0xea: {  	[tilespmem:s29], [sflag:$0x3] =	stream.linear.gather [hbm4b:s19+s4], $0x80, $0x38;
	[tilespmem:$0x1B780] =	vst v63  }
0xeb: {  	s21 =	sld [smem:$0x7CB]  }
0xec: {  	[tilespmem:s29], [sflag:$0x3] =	stream.linear.gather [hbm4b:s20+s4], $0x80, $0x38;
	[tilespmem:$0x1B780] =	vst v63  }
0xed: {  	s13 =	sld [smem:$0x7CC]  }
0xee: {  	[tilespmem:s29], [sflag:$0x3] =	stream.linear.gather [hbm4b:s21+s4], $0x80, $0x38;
	[tilespmem:$0x1B780] =	vst v63  }
0xef: {  	s14 =	sld [smem:$0x7CD]  }
0xf0: {  	[tilespmem:s29], [sflag:$0x3] =	stream.linear.gather [hbm4b:s13+s4], $0x80, $0x38;
	[tilespmem:$0x1B780] =	vst v63  }
0xf1: {  	s15 =	sld [smem:$0x7CE]  }
0xf2: {  	[tilespmem:s29], [sflag:$0x3] =	stream.linear.gather [hbm4b:s14+s4], $0x80, $0x38;
	[tilespmem:$0x1B780] =	vst v63  }
0xf3: {  	s16 =	sld [smem:$0x7CF]  }
0xf4: {  	[tilespmem:s29], [sflag:$0x3] =	stream.linear.gather [hbm4b:s15+s4], $0x80, $0x38;
	[tilespmem:$0x1B780] =	vst v63  }
0xf5: {  	s17 =	sld [smem:$0x7D0]  }
0xf6: {  	[tilespmem:s29], [sflag:$0x3] =	stream.linear.gather [hbm4b:s16+s4], $0x80, $0x38;
	[tilespmem:$0x1B780] =	vst v63  }
0xf7: {  	s18 =	sld [smem:$0x7D1]  }
0xf8: {  	[tilespmem:s29], [sflag:$0x3] =	stream.linear.gather [hbm4b:s17+s4], $0x80, $0x38;
	[tilespmem:$0x1B780] =	vst v63  }
0xf9: {  	s19 =	sld [smem:$0x7D2]  }
0xfa: {  	[tilespmem:s29], [sflag:$0x3] =	stream.linear.gather [hbm4b:s18+s4], $0x80, $0x38;
	[tilespmem:$0x1B780] =	vst v63  }
0xfb: {  	s20 =	sld [smem:$0x7D3]  }
0xfc: {  	[tilespmem:s29], [sflag:$0x3] =	stream.linear.gather [hbm4b:s19+s4], $0x80, $0x38;
	[tilespmem:$0x1B780] =	vst v63  }
0xfd: {  	s21 =	sld [smem:$0x7D4]  }
0xfe: {  	[tilespmem:s29], [sflag:$0x3] =	stream.linear.gather [hbm4b:s20+s4], $0x80, $0x38;
	[tilespmem:$0x1B780] =	vst v63  }
0xff: {  	s13 =	sld [smem:$0x7D5]  }
0x100: {  	[tilespmem:s29], [sflag:$0x3] =	stream.linear.gather [hbm4b:s21+s4], $0x80, $0x38;
	[tilespmem:$0x1B780] =	vst v63  }
0x101: {  	s14 =	sld [smem:$0x7D6]  }
0x102: {  	[tilespmem:s29], [sflag:$0x3] =	stream.linear.gather [hbm4b:s13+s4], $0x80, $0x38;
	[tilespmem:$0x1B780] =	vst v63  }
0x103: {  	s15 =	sld [smem:$0x7D7]  }
0x104: {  	[tilespmem:s29], [sflag:$0x3] =	stream.linear.gather [hbm4b:s14+s4], $0x80, $0x38;
	[tilespmem:$0x1B780] =	vst v63  }
0x105: {  	s16 =	sld [smem:$0x7D8]  }
0x106: {  	[tilespmem:s29], [sflag:$0x3] =	stream.linear.gather [hbm4b:s15+s4], $0x80, $0x38;
	[tilespmem:$0x1B780] =	vst v63  }
0x107: {  	s17 =	sld [smem:$0x7D9]  }
0x108: {  	[tilespmem:s29], [sflag:$0x3] =	stream.linear.gather [hbm4b:s16+s4], $0x80, $0x38;
	[tilespmem:$0x1B780] =	vst v63  }
0x109: {  	s18 =	sld [smem:$0x7DA]  }
0x10a: {  	[tilespmem:s29], [sflag:$0x3] =	stream.linear.gather [hbm4b:s17+s4], $0x80, $0x38;
	[tilespmem:$0x1B780] =	vst v63  }
0x10b: {  	s19 =	sld [smem:$0x7DB]  }
0x10c: {  	[tilespmem:s29], [sflag:$0x3] =	stream.linear.gather [hbm4b:s18+s4], $0x80, $0x38;
	[tilespmem:$0x1B780] =	vst v63  }
0x10d: {  	s20 =	sld [smem:$0x7DC]  }
0x10e: {  	[tilespmem:s29], [sflag:$0x3] =	stream.linear.gather [hbm4b:s19+s4], $0x80, $0x38;
	[tilespmem:$0x1B780] =	vst v63  }
0x10f: {  	s21 =	sld [smem:$0x7DD]  }
0x110: {  	[tilespmem:s29], [sflag:$0x3] =	stream.linear.gather [hbm4b:s20+s4], $0x80, $0x38;
	[tilespmem:$0x1B780] =	vst v63  }
0x111: {  	s13 =	sld [smem:$0x7DE]  }
0x112: {  	[tilespmem:s29], [sflag:$0x3] =	stream.linear.gather [hbm4b:s21+s4], $0x80, $0x38;
	[tilespmem:$0x1B780] =	vst v63  }
0x113: {  	s14 =	sld [smem:$0x7DF]  }
0x114: {  	[tilespmem:s29], [sflag:$0x3] =	stream.linear.gather [hbm4b:s13+s4], $0x80, $0x38;
	[tilespmem:$0x1B780] =	vst v63  }
0x115: {  	s15 =	sld [smem:$0x7E0]  }
0x116: {  	[tilespmem:s29], [sflag:$0x3] =	stream.linear.gather [hbm4b:s14+s4], $0x80, $0x38;
	[tilespmem:$0x1B780] =	vst v63  }
0x117: {  	s16 =	sld [smem:$0x7E1]  }
0x118: {  	[tilespmem:s29], [sflag:$0x3] =	stream.linear.gather [hbm4b:s15+s4], $0x80, $0x38;
	[tilespmem:$0x1B780] =	vst v63  }
0x119: {  	s17 =	sld [smem:$0x7E2]  }
0x11a: {  	[tilespmem:s29], [sflag:$0x3] =	stream.linear.gather [hbm4b:s16+s4], $0x80, $0x38;
	[tilespmem:$0x1B780] =	vst v63  }
0x11b: {  	s18 =	sld [smem:$0x7E3]  }
0x11c: {  	[tilespmem:s29], [sflag:$0x3] =	stream.linear.gather [hbm4b:s17+s4], $0x80, $0x38;
	[tilespmem:$0x1B780] =	vst v63  }
0x11d: {  	s19 =	sld [smem:$0x7E4]  }
0x11e: {  	[tilespmem:s29], [sflag:$0x3] =	stream.linear.gather [hbm4b:s18+s4], $0x80, $0x38;
	[tilespmem:$0x1B780] =	vst v63  }
0x11f: {  	s20 =	sld [smem:$0x7E5]  }
0x120: {  	[tilespmem:s29], [sflag:$0x3] =	stream.linear.gather [hbm4b:s19+s4], $0x80, $0x38;
	[tilespmem:$0x1B780] =	vst v63  }
0x121: {  	s21 =	sld [smem:$0x7E6]  }
0x122: {  	[tilespmem:s29], [sflag:$0x3] =	stream.linear.gather [hbm4b:s20+s4], $0x80, $0x38;
	[tilespmem:$0x1B780] =	vst v63  }
0x123: {  	s13 =	sld [smem:$0x7E7]  }
0x124: {  	[tilespmem:s29], [sflag:$0x3] =	stream.linear.gather [hbm4b:s21+s4], $0x80, $0x38;
	[tilespmem:$0x1B780] =	vst v63  }
0x125: {  	s14 =	sld [smem:$0x7E8]  }
0x126: {  	[tilespmem:s29], [sflag:$0x3] =	stream.linear.gather [hbm4b:s13+s4], $0x80, $0x38;
	[tilespmem:$0x1B780] =	vst v63  }
0x127: {  	_ = 	snop  }
0x128: {  	[tilespmem:s29], [sflag:$0x3] =	stream.linear.gather [hbm4b:s14+s4], $0x80, $0x38;
	[tilespmem:$0x1B780] =	vst v63  }
0x129: {  	s15 =	sld [smem:$0x7E9]  }
0x12a: {  	[tilespmem:s2], [sflag:$0x2] =	stream.strided.gather [hbm4b:s22+s30], $0x2000, s31, s30, $0x38;
	[tilespmem:$0x1B780] =	vst v63  }
0x12b: {  	s16 =	sld [smem:$0x7EA];
	s13 =	simm.s32 $0x3000  }
0x12c: {  	[tilespmem:s13], [sflag:$0x2] =	stream.strided.gather [hbm4b:s15+s30], $0x2000, s31, s30, $0x38;
	[tilespmem:$0x1B780] =	vst v63  }
0x12d: {  	s17 =	simm.s32 $0x5000;
	s18 =	sld [smem:$0x7EB]  }
0x12e: {  	[tilespmem:s17], [sflag:$0x2] =	stream.strided.gather [hbm4b:s16+s30], $0x2000, s31, s30, $0x38;
	[tilespmem:$0x1B780] =	vst v63  }
0x12f: {  	s19 =	simm.s32 $0x7000;
	s20 =	sld [smem:$0x7ED]  }
0x130: {  	[tilespmem:s19], [sflag:$0x2] =	stream.strided.gather [hbm4b:s18+s30], $0x2000, s31, s30, $0x38;
	[tilespmem:$0x1B780] =	vst v63  }
0x131: {  	s21 =	simm.s32 $0x9000;
	s14 =	sld [smem:$0x7EE]  }
0x132: {  	[tilespmem:s21], [sflag:$0x2] =	stream.strided.gather [hbm4b:s20+s30], $0x2000, s31, s30, $0x38;
	[tilespmem:$0x1B780] =	vst v63  }
0x133: {  	s15 =	simm.s32 $0xB000;
	s16 =	sld [smem:$0x7EF]  }
0x134: {  	[tilespmem:s15], [sflag:$0x2] =	stream.strided.gather [hbm4b:s14+s30], $0x2000, s31, s30, $0x38;
	[tilespmem:$0x1B780] =	vst v63  }
0x135: {  	s17 =	simm.s32 $0xD000;
	s18 =	sld [smem:$0x7F0]  }
0x136: {  	[tilespmem:s17], [sflag:$0x2] =	stream.strided.gather [hbm4b:s16+s30], $0x2000, s31, s30, $0x38;
	[tilespmem:$0x1B780] =	vst v63  }
0x137: {  	s19 =	simm.s32 $0xF000  }
0x138: {  	[tilespmem:s19], [sflag:$0x2] =	stream.strided.gather [hbm4b:s18+s30], $0x2000, s31, s30, $0x38;
	[tilespmem:$0x1B780] =	vst v63  }
0x139: {  	s20 =	sld [smem:$0x7F1]  }
0x13a: {  	[tilespmem:s4], [sflag:$0x1] =	stream.linear.gather [hbm4b:s1+s4], $0x80, $0x38;
	[tilespmem:$0x1B780] =	vst v63  }
0x13b: {  	s13 =	sld [smem:$0x7F2];
	s21 =	simm.s32 $0x100  }
0x13c: {  	[tilespmem:s21], [sflag:$0x1] =	stream.linear.gather [hbm4b:s20+s4], $0x80, $0x38;
	[tilespmem:$0x1B780] =	vst v63  }
0x13d: {  	s14 =	simm.s32 $0x200;
	s15 =	sld [smem:$0x7F3]  }
0x13e: {  	[tilespmem:s14], [sflag:$0x1] =	stream.linear.gather [hbm4b:s13+s4], $0x80, $0x38;
	[tilespmem:$0x1B780] =	vst v63  }
0x13f: {  	s16 =	simm.s32 $0x300;
	s17 =	sld [smem:$0x7F4]  }
0x140: {  	[tilespmem:s16], [sflag:$0x1] =	stream.linear.gather [hbm4b:s15+s4], $0x80, $0x38;
	[tilespmem:$0x1B780] =	vst v63  }
0x141: {  	s18 =	sld [smem:$0x7F5]  }
0x142: {  	[tilespmem:s30], [sflag:$0x1] =	stream.linear.gather [hbm4b:s17+s4], $0x80, $0x38;
	[tilespmem:$0x1B780] =	vst v63  }
0x143: {  	s19 =	simm.s32 $0x500;
	s20 =	sld [smem:$0x7F6]  }
0x144: {  	[tilespmem:s19], [sflag:$0x1] =	stream.linear.gather [hbm4b:s18+s4], $0x80, $0x38;
	[tilespmem:$0x1B780] =	vst v63  }
0x145: {  	s21 =	simm.s32 $0x600;
	s14 =	sld [smem:$0x7F7]  }
0x146: {  	[tilespmem:s21], [sflag:$0x1] =	stream.linear.gather [hbm4b:s20+s4], $0x80, $0x38;
	[tilespmem:$0x1B780] =	vst v63  }
0x147: {  	s15 =	simm.s32 $0x700;
	s16 =	sld [smem:$0x7F8]  }
0x148: {  	[tilespmem:s15], [sflag:$0x1] =	stream.linear.gather [hbm4b:s14+s4], $0x80, $0x38;
	[tilespmem:$0x1B780] =	vst v63  }
0x149: {  	s17 =	simm.s32 $0x800;
	s18 =	sld [smem:$0x7F9]  }
0x14a: {  	[tilespmem:s17], [sflag:$0x1] =	stream.linear.gather [hbm4b:s16+s4], $0x80, $0x38;
	[tilespmem:$0x1B780] =	vst v63  }
0x14b: {  	s19 =	simm.s32 $0x900;
	s20 =	sld [smem:$0x7FA]  }
0x14c: {  	[tilespmem:s19], [sflag:$0x1] =	stream.linear.gather [hbm4b:s18+s4], $0x80, $0x38;
	[tilespmem:$0x1B780] =	vst v63  }
0x14d: {  	s21 =	simm.s32 $0xA00;
	s14 =	sld [smem:$0x7FB]  }
0x14e: {  	[tilespmem:s21], [sflag:$0x1] =	stream.linear.gather [hbm4b:s20+s4], $0x80, $0x38;
	[tilespmem:$0x1B780] =	vst v63  }
0x14f: {  	s15 =	simm.s32 $0xB00;
	s16 =	sld [smem:$0x7FC]  }
0x150: {  	[tilespmem:s15], [sflag:$0x1] =	stream.linear.gather [hbm4b:s14+s4], $0x80, $0x38;
	[tilespmem:$0x1B780] =	vst v63  }
0x151: {  	s17 =	simm.s32 $0xC00;
	s18 =	sld [smem:$0x7FD]  }
0x152: {  	[tilespmem:s17], [sflag:$0x1] =	stream.linear.gather [hbm4b:s16+s4], $0x80, $0x38;
	[tilespmem:$0x1B780] =	vst v63  }
0x153: {  	s19 =	simm.s32 $0xD00  }
0x154: {  	[tilespmem:s19], [sflag:$0x1] =	stream.linear.gather [hbm4b:s18+s4], $0x80, $0x38;
	[tilespmem:$0x1B780] =	vst v63  }
0x155: {  	s20 =	simm.s32 $0xE00  }
0x156: {  	[tilespmem:s20], [sflag:$0x1] =	stream.linear.gather [hbm4b:s24+s4], $0x80, $0x38;
	[tilespmem:$0x1B780] =	vst v63  }
0x157: {  	s21 =	simm.s32 $0xF00  }
0x158: {  	[tilespmem:s21], [sflag:$0x1] =	stream.linear.gather [hbm4b:s28+s4], $0x80, $0x38;
	[tilespmem:$0x1B780] =	vst v63  }
0x159: {  	_ =	swait.ge [sflag:s0], $0x800  }
0x15a: {  	s12 =	simm.s32 $0x0;
	[sflag:s0] =	ssyncset.done $0x0  }
0x15b: {  	s13 =	simm.s32 $0x0;
	s19 =	simm.s32 $0x0;
	[sflag:s0] =	ssyncadd.s32 $0xFFFFF800  }
.LBB2_2:
0x15c: {  	s14 =	smov.u32 s13;
	s13 =	sadd.s32 $0x1, s13  }
0x15d: {  	s15 =	smin.u32 s13, $0x7  }
0x15e: {  	s16 =	sshll.u32 s13, $0x7;
	s15 =	sshll.u32 s15, $0x8  }
0x15f: {  	s17 =	simm.s32 $0x0;
	s16 =	sand.u32 $0x80, s16;
	s15 =	sadd.s32 s1, s15  }
0x160: {  	[tilespmem:s16], [sflag:$0x1] =	stream.linear.gather [hbm4b:s15+s17], $0x80, $0x38;
	[tilespmem:$0x1B780] =	vst v63  }
0x161: {  	s20 =	sor.u32 $0x100, s16;
	s18 =	sadd.s32 $0x10, s15  }
0x162: {  	[tilespmem:s20], [sflag:$0x1] =	stream.linear.gather [hbm4b:s18+s17], $0x80, $0x38;
	[tilespmem:$0x1B780] =	vst v63  }
0x163: {  	s21 =	sor.u32 $0x200, s16;
	s20 =	sadd.s32 $0x20, s15  }
0x164: {  	[tilespmem:s21], [sflag:$0x1] =	stream.linear.gather [hbm4b:s20+s17], $0x80, $0x38;
	[tilespmem:$0x1B780] =	vst v63  }
0x165: {  	s20 =	sadd.s32 $0x30, s15;
	s21 =	sor.u32 $0x300, s16  }
0x166: {  	[tilespmem:s21], [sflag:$0x1] =	stream.linear.gather [hbm4b:s20+s17], $0x80, $0x38;
	[tilespmem:$0x1B780] =	vst v63  }
0x167: {  	s20 =	sadd.s32 $0x40, s15;
	s21 =	sor.u32 $0x400, s16  }
0x168: {  	[tilespmem:s21], [sflag:$0x1] =	stream.linear.gather [hbm4b:s20+s17], $0x80, $0x38;
	[tilespmem:$0x1B780] =	vst v63  }
0x169: {  	s20 =	sadd.s32 $0x50, s15;
	s21 =	sor.u32 $0x500, s16  }
0x16a: {  	[tilespmem:s21], [sflag:$0x1] =	stream.linear.gather [hbm4b:s20+s17], $0x80, $0x38;
	[tilespmem:$0x1B780] =	vst v63  }
0x16b: {  	s20 =	sadd.s32 $0x60, s15;
	s21 =	sor.u32 $0x600, s16  }
0x16c: {  	[tilespmem:s21], [sflag:$0x1] =	stream.linear.gather [hbm4b:s20+s17], $0x80, $0x38;
	[tilespmem:$0x1B780] =	vst v63  }
0x16d: {  	s20 =	sadd.s32 $0x70, s15;
	s21 =	sor.u32 $0x700, s16  }
0x16e: {  	[tilespmem:s21], [sflag:$0x1] =	stream.linear.gather [hbm4b:s20+s17], $0x80, $0x38;
	[tilespmem:$0x1B780] =	vst v63  }
0x16f: {  	s20 =	sadd.s32 $0x80, s15;
	s21 =	sor.u32 $0x800, s16  }
0x170: {  	[tilespmem:s21], [sflag:$0x1] =	stream.linear.gather [hbm4b:s20+s17], $0x80, $0x38;
	[tilespmem:$0x1B780] =	vst v63  }
0x171: {  	s20 =	sadd.s32 $0x90, s15;
	s21 =	sor.u32 $0x900, s16  }
0x172: {  	[tilespmem:s21], [sflag:$0x1] =	stream.linear.gather [hbm4b:s20+s17], $0x80, $0x38;
	[tilespmem:$0x1B780] =	vst v63  }
0x173: {  	s20 =	sadd.s32 $0xA0, s15;
	s21 =	sor.u32 $0xA00, s16  }
0x174: {  	[tilespmem:s21], [sflag:$0x1] =	stream.linear.gather [hbm4b:s20+s17], $0x80, $0x38;
	[tilespmem:$0x1B780] =	vst v63  }
0x175: {  	s20 =	sadd.s32 $0xB0, s15;
	s21 =	sor.u32 $0xB00, s16  }
0x176: {  	[tilespmem:s21], [sflag:$0x1] =	stream.linear.gather [hbm4b:s20+s17], $0x80, $0x38;
	[tilespmem:$0x1B780] =	vst v63  }
0x177: {  	s20 =	sadd.s32 $0xC0, s15;
	s21 =	sor.u32 $0xC00, s16  }
0x178: {  	[tilespmem:s21], [sflag:$0x1] =	stream.linear.gather [hbm4b:s20+s17], $0x80, $0x38;
	[tilespmem:$0x1B780] =	vst v63  }
0x179: {  	s20 =	sadd.s32 $0xD0, s15;
	s21 =	sor.u32 $0xD00, s16  }
0x17a: {  	[tilespmem:s21], [sflag:$0x1] =	stream.linear.gather [hbm4b:s20+s17], $0x80, $0x38;
	[tilespmem:$0x1B780] =	vst v63  }
0x17b: {  	s20 =	sadd.s32 $0xE0, s15;
	s21 =	sor.u32 $0xE00, s16  }
0x17c: {  	[tilespmem:s21], [sflag:$0x1] =	stream.linear.gather [hbm4b:s20+s17], $0x80, $0x38;
	[tilespmem:$0x1B780] =	vst v63  }
0x17d: {  	s14 =	sshll.u32 s14, $0x7;
	s15 =	sadd.s32 $0xF0, s15;
	s16 =	sor.u32 $0xF00, s16  }
0x17e: {  	[tilespmem:s16], [sflag:$0x1] =	stream.linear.gather [hbm4b:s15+s17], $0x80, $0x38;
	[tilespmem:$0x1B780] =	vst v63  }
0x17f: {  	s20 =	sand.u32 $0xF00, s17;
	s15 =	sand.u32 $0x80, s14  }
0x180: {  	s21 =	sand.u32 $0x70, s17;
	s14 =	sor.u32 s20, s15  }
0x181: {  	s14 =	sadd.s32 s21, s14  }
0x182: {  	v11 =	vld [tilespmem:s14+$0x0];
	_ =	sdelay $0x4  }
0x183: {  	v10 =	vshrl.u32 v11, $0x7  }
0x184: {  	vm0 =	vge.u32 v10, v4;
	vm1 =	vlt.u32 v10, v5  }
0x185: {  	vm0 =	vmand vm0, vm1  }
0x186: {  	v10 =	vmpcnt.ones.xlane vm0;
	_ =	sdelay $0x1  }
0x187: {  	(v2sf) =	vpush v10, $0x0  }
0x188: {  	p0 =	slt.s32 s19, $0x2C0;
	s14 =	smov.u32 s19  }
0x189: {  	s17 =	simm.s32 $0x20;
	s21 =	sadd.s32 $0x0, s12;
	s14 =	simm.s32 @!p0 $0x2C0  }
0x18a: {  	s18 =	simm.s32 $0x20;
	s16 =	simm.s32 $0x10;
	s20 =	sand.u32 $0xF00, s17;
	[tilespmem:s14+$0x19000] =	vst.msk vm0, v11;
	v10 =	vor.u32 s21, v0  }
.LBB2_3:
0x18b: {  	p0 =	sne.s32 s18, $0x7F0;
	s21 =	sand.u32 $0x70, s16;
	s20 =	sor.u32 s20, s15;
	[tilespmem:s14+$0x19300] =	vst.msk vm0, v10  }
0x18c: {  	s14 =	sadd.s32 s21, s20  }
0x18d: {  	v11 =	vld [tilespmem:s14+$0x0];
	_ =	sdelay $0x4  }
0x18e: {  	v10 =	vshrl.u32 v11, $0x7  }
0x18f: {  	vm0 =	vge.u32 v10, v4;
	vm1 =	vlt.u32 v10, v5  }
0x190: {  	vm0 =	vmand vm0, vm1  }
0x191: {  	v10 =	vmpcnt.ones.xlane vm0  }
.Ltmp2:
0x192: {  	s14 =	spop (v2sf);
	(pc) =	sbr.rel @p0 .LBB2_3-.Ltmp2, $4  }
0x193: {  	(v2sf) =	vpush v10, $0x0;
	s19 =	sadd.s32 s19, s14  }
0x194: {  	p1 =	slt.s32 s19, $0x2C0;
	s14 =	smov.u32 s19  }
0x195: {  	s16 =	sadd.s32 s16, s12;
	s17 =	sadd.s32 $0x20, s17;
	s14 =	simm.s32 @!p1 $0x2C0  }
0x196: {  	s20 =	sand.u32 $0xF00, s17;
	v10 =	vor.u32 s16, v0;
	s16 =	smov.u32 s18;
	s18 =	sadd.s32 $0x10, s18;
	[tilespmem:s14+$0x19000] =	vst.msk vm0, v11  }
0x197: {  	s17 =	sand.u32 $0x70, s16;
	s15 =	sor.u32 s20, s15  }
0x198: {  	[tilespmem:s14+$0x19300] =	vst.msk vm0, v10;
	s17 =	sadd.s32 s17, s15  }
0x199: {  	v10 =	vld [tilespmem:s17+$0x0];
	_ =	sdelay $0x4  }
0x19a: {  	v11 =	vshrl.u32 v10, $0x7  }
0x19b: {  	vm15 =	vge.u32 v11, v4;
	vm1 =	vlt.u32 v11, v5  }
0x19c: {  	vm0 =	vmand vm15, vm1  }
0x19d: {  	v11 =	vmpcnt.ones.xlane vm0;
	_ =	sdelay $0x1  }
0x19e: {  	(v2sf) =	vpush v11, $0x0;
	_ =	sdelay $0x9  }
0x19f: {  	s18 =	spop (v2sf)  }
0x1a0: {  	s14 =	sadd.s32 s19, s18  }
0x1a1: {  	p0 =	slt.s32 s14, $0x2C0;
	s15 =	smov.u32 s14  }
0x1a2: {  	s20 =	sadd.s32 s16, s12;
	s15 =	simm.s32 @!p0 $0x2C0;
	p0 =	sne.s32 s13, $0x8  }
.Ltmp3:
0x1a3: {  	v11 =	vor.u32 s20, v0;
	[tilespmem:s15+$0x19000] =	vst.msk vm0, v10;
	(pc) =	sbr.rel @p0 .LBB2_2-.Ltmp3, $4  }
0x1a4: {  	[tilespmem:s15+$0x19300] =	vst.msk vm0, v11;
	s21 =	spop (v2sf)  }
0x1a5: {  	_ =	swait.ge [sflag:s0], $0x800  }
0x1a6: {  	[sflag:s0] =	ssyncset.done $0x0  }
0x1a7: {  	s12 =	sadd.s32 $0x800, s12;
	s19 =	sadd.s32 s14, s21;
	[sflag:s0] =	ssyncadd.s32 $0xFFFFF800  }
0x1a8: {  	p0 =	slt.s32 s19, $0x2C0;
	s12 =	smov.u32 s19  }
0x1a9: {  	s12 =	simm.s32 @!p0 $0x2C0  }
0x1aa: {  	v10 =	vld [tilespmem:s12+$0x19000];
	_ =	sdelay $0x1  }
.Ltmp4:
0x1ab: {  	_ = 	snop;
	(pc) =	sbr.rel .LBB2_6-.Ltmp4, $4  }
0x1ac: {  	v11 =	vadd.s32 s12, v0  }
0x1ad: {  	vm0 =	vlt.s32 v11, s19  }
0x1ae: {  	v10 =	vnsel vm0, $0xF4281, v10  }
0x1af: {  	[tilespmem:s12+$0x19000] =	vst v10;
	s12 =	simm.s32 $0x0  }
.LBB2_10:
0x1b0: {  	s12 =	sadd.s32 $0x1, s12  }
0x1b1: {  	p0 =	sne.s32 s12, $0x3E  }
.Ltmp5:
0x1b2: {  	_ = 	snop;
	(pc) =	sbr.rel @!p0 .LBB2_11-.Ltmp5, $2  }
0x1b3: {  	_ =	sdelay $0x2  }
0x1b4: {  	[hbm4b:s5+s10] =	stream.indirect.scatter [tilespmem:s14], [sflag:$0x3], $0x80, s13, s10, $0xb8;
	[tilespmem:$0x1B780] =	vst v63  }
.LBB2_6:
0x1b5: {  	s13 =	smul.u32 $0xAB, s12;
	_ =	sdelay $0x1  }
0x1b6: {  	s14 =	sadd.s32 $0x156, s13  }
0x1b7: {  	s14 =	sshrl.u32 s14, $0x9  }
0x1b8: {  	s14 =	sand.u32 $0x7F, s14  }
0x1b9: {  	s15 =	sadd.s32 $0x2, s12;
	s14 =	smul.u32 $0x3, s14  }
0x1ba: {  	s16 =	sshll.u32 s15, $0x2  }
0x1bb: {  	s14 =	ssub.s32 s15, s14;
	s15 =	sadd.s32 s6, s16  }
0x1bc: {  	s14 =	sand.u32 $0xFF, s14;
	s16 =	smin.u32 s15, $0x1E84  }
0x1bd: {  	s14 =	sshll.u32 s14, $0xF;
	s16 =	sshll.u32 s16, $0x7  }
0x1be: {  	s18 =	smin.u32 s15, $0x1E83;
	s17 =	sor.u32 $0x1000, s14;
	s16 =	sadd.s32 s3, s16  }
0x1bf: {  	[tilespmem:s17], [sflag:$0x2] =	stream.strided.gather [hbm4b:s16+s30], $0x2000, s31, s30, $0x38;
	[tilespmem:$0x1B780] =	vst v63  }
0x1c0: {  	s16 =	sshll.u32 s18, $0x7  }
0x1c1: {  	s20 =	smin.u32 s15, $0x1E82;
	s19 =	sor.u32 $0x3000, s14;
	s16 =	sadd.s32 s16, s23  }
0x1c2: {  	[tilespmem:s19], [sflag:$0x2] =	stream.strided.gather [hbm4b:s16+s30], $0x2000, s31, s30, $0x38;
	[tilespmem:$0x1B780] =	vst v63  }
0x1c3: {  	s15 =	smin.u32 s15, $0x1E81;
	s16 =	sshll.u32 s20, $0x7  }
0x1c4: {  	s15 =	sshll.u32 s15, $0x7;
	s21 =	sor.u32 $0x5000, s14;
	s16 =	sadd.s32 s16, s25  }
0x1c5: {  	[tilespmem:s21], [sflag:$0x2] =	stream.strided.gather [hbm4b:s16+s30], $0x2000, s31, s30, $0x38;
	[tilespmem:$0x1B780] =	vst v63  }
0x1c6: {  	s14 =	sor.u32 $0x7000, s14;
	s15 =	sadd.s32 s15, s26  }
0x1c7: {  	[tilespmem:s14], [sflag:$0x2] =	stream.strided.gather [hbm4b:s15+s30], $0x2000, s31, s30, $0x38;
	[tilespmem:$0x1B780] =	vst v63  }
0x1c8: {  	_ =	swait.ge [sflag:s8], $0x1000  }
0x1c9: {  	[sflag:s8] =	ssyncset.done $0x0  }
0x1ca: {  	[sflag:s8] =	ssyncadd.s32 $0xFFFFF000  }
0x1cb: {  	_ =	swait.ge [sflag:s9], $0x2000  }
0x1cc: {  	[sflag:s9] =	ssyncset.done $0x0  }
0x1cd: {  	[sflag:s9] =	ssyncadd.s32 $0xFFFFE000  }
0x1ce: {  	_ =	swait.ge [sflag:s9], $0x2000  }
0x1cf: {  	[sflag:s9] =	ssyncset.done $0x0  }
0x1d0: {  	s13 =	sshrl.u32 s13, $0x9;
	[sflag:s9] =	ssyncadd.s32 $0xFFFFE000  }
0x1d1: {  	s19 =	smul.u32 $0x3, s13;
	_ =	swait.ge [sflag:s9], $0x2000  }
0x1d2: {  	s16 =	sand.u32 $0x1, s12;
	s21 =	sshll.u32 s12, $0x2;
	[sflag:s9] =	ssyncset.done $0x0  }
0x1d3: {  	s20 =	sshll.u32 s16, $0x7;
	s17 =	sadd.s32 s6, s21;
	[sflag:s9] =	ssyncadd.s32 $0xFFFFE000  }
.Ltmp6:
0x1d4: {  	s13 =	sor.u32 $0x1B600, s20;
	_ =	swait.ge [sflag:s9], $0x2000;
	(pc) =	sbr.rel .LBB2_7-.Ltmp6, $4  }
0x1d5: {  	s15 =	ssub.s32 s12, s19;
	s18 =	sadd.s32 $0x4, s17;
	[sflag:s9] =	ssyncset.done $0x0  }
0x1d6: {  	s14 =	sshll.u32 s16, $0xC;
	s15 =	sshll.u32 s15, $0x2;
	[sflag:s9] =	ssyncadd.s32 $0xFFFFE000  }
0x1d7: {  	s18 =	smin.u32 s18, s7;
	s14 =	sadd.s32 $0x19600, s14;
	s15 =	sand.u32 $0xFC, s15;
	[tilespmem:s20+$0x1B600] =	vst v1  }
0x1d8: {  	v10 =	vmov s17;
	s16 =	simm.s32 $0x0;
	v11 =	vmov s18;
	v12 =	vmov s14;
	s15 =	ssub.s32 s15, s17;
	s17 =	simm.s32 $0x0;
	[tilespmem:s20+$0x1B610] =	vst v2  }
.LBB2_9:
0x1d9: {  	s17 =	sadd.s32 $0x1, s17  }
0x1da: {  	p0 =	sne.s32 s17, $0x2D  }
.Ltmp7:
0x1db: {  	_ = 	snop;
	(pc) =	sbr.rel @!p0 .LBB2_10-.Ltmp7, $1  }
0x1dc: {  	_ =	sdelay $0x3  }
.LBB2_7:
0x1dd: {  	s18 =	sshll.u32 s17, $0x4  }
0x1de: {  	v13 =	vld [tilespmem:s18+$0x19000];
	_ =	sdelay $0x4  }
0x1df: {  	v14 =	vshrl.u32 v13, $0x7  }
0x1e0: {  	vm0 =	vge.u32 v14, v10;
	vm1 =	vlt.u32 v14, v11  }
0x1e1: {  	vm0 =	vmand vm0, vm1  }
0x1e2: {  	v14 =	vmpcnt.ones.xlane vm0;
	_ =	sdelay $0x1  }
0x1e3: {  	(v2sf) =	vpush v14, $0x0;
	_ =	sdelay $0xe  }
0x1e4: {  	s19 =	spop (v2sf)  }
0x1e5: {  	p0 =	slt.s32 s19, $0x1  }
.Ltmp8:
0x1e6: {  	_ = 	snop;
	(pc) =	sbr.rel @p0 .LBB2_9-.Ltmp8, $1  }
0x1e7: {  	_ =	sdelay $0x3  }
.LBB2_8:
0x1e8: {  	v14 =	vmctz.xlane vm0;
	_ =	sdelay $0x1  }
0x1e9: {  	v14 =	vbroadcast v14, $0x0;
	_ =	sdelay $0x1  }
0x1ea: {  	vm1 =	veq.s32 v14, v0  }
0x1eb: {  	v15 =	vnsel vm1, $0x0, v13  }
0x1ec: {  	(xrf0) =	vadd.scan.msk.s32 $0xffff, v15;
	_ =	sdelay $0x5  }
0x1ed: {  	v15, _, _ =	vpop (xrf0)  }
0x1ee: {  	(v2sf) =	vpush v15, $0xF;
	_ =	sdelay $0x8  }
0x1ef: {  	v15 =	vld [tilespmem:s18+$0x19300];
	_ =	sdelay $0x4  }
0x1f0: {  	v15 =	vnsel vm1, $0x0, v15  }
0x1f1: {  	(xrf0) =	vadd.scan.msk.s32 $0xffff, v15;
	s19 =	spop (v2sf)  }
0x1f2: {  	s20 =	sshrl.u32 s19, $0x7  }
0x1f3: {  	p0 =	slt.s32 s16, $0x1F;
	s21 =	smov.u32 s16;
	s20 =	sadd.s32 s20, s15  }
0x1f4: {  	s21 =	simm.s32 @!p0 $0x1F;
	s19 =	sand.u32 $0x7F, s19;
	s20 =	sshll.u32 s20, $0xD  }
0x1f5: {  	v15 =	vmov s21;
	s19 =	sor.u32 s19, s20  }
0x1f6: {  	v16 =	vor.u32 s19, v3  }
0x1f7: {  	v17, _, _ =	vpop (xrf0)  }
0x1f8: {  	v17 =	vbroadcast v17, $0xF;
	_ =	sdelay $0x1  }
0x1f9: {  	[tilespmem:v15+s13+$0x0] =	vst.idx.msk $0x1, v17  }
0x1fa: {  	v15 =	vld.idx.msk [tilespmem:v16+s2+$0x0], $0xffff;
	_ =	sdelay $0x2  }
0x1fb: {  	v62 =	vor.u32 s19, v7;
	_ =	sdelay $0x1  }
0x1fc: {  	s21 =	sshll.u32 s21, $0x9;
	v15 =	vmul.f32 $8.000000000e+00, v15  }
0x1fd: {  	vm1 =	vne.s32 v14, v0;
	s20 =	sshra.s32 s21, $0x2  }
0x1fe: {  	vm0 =	vmand vm0, vm1;
	[tilespmem:v12+s20+$0x0 ss:$0x1] =	vst.idx.msk $0xffff, v15  }
0x1ff: {  	v63 =	vmpcnt.ones.xlane vm0;
	v15 =	vld.idx.msk [tilespmem:v62+s2+$0x0], $0xffff;
	_ =	sdelay $0x1  }
0x200: {  	(v2sf) =	vpush v63, $0x0  }
0x201: {  	v14 =	vor.u32 s19, v8;
	_ =	sdelay $0x1  }
0x202: {  	v15 =	vmul.f32 $8.000000000e+00, v15;
	_ =	sdelay $0x1  }
0x203: {  	[tilespmem:v12+s20+$0x10 ss:$0x1] =	vst.idx.msk $0xffff, v15  }
0x204: {  	v14 =	vld.idx.msk [tilespmem:v14+s2+$0x0], $0xffff;
	_ =	sdelay $0x2  }
0x205: {  	v15 =	vor.u32 s19, v9;
	_ =	sdelay $0x1  }
0x206: {  	v14 =	vmul.f32 $8.000000000e+00, v14;
	_ =	sdelay $0x1  }
0x207: {  	[tilespmem:v12+s20+$0x20 ss:$0x1] =	vst.idx.msk $0xffff, v14  }
0x208: {  	v14 =	vld.idx.msk [tilespmem:v15+s2+$0x0], $0xffff  }
0x209: {  	s21 =	spop (v2sf)  }
0x20a: {  	p0 =	sgt.s32 s21, $0x0  }
.Ltmp9:
0x20b: {  	_ = 	snop;
	(pc) =	sbr.rel @p0 .LBB2_8-.Ltmp9, $3  }
0x20c: {  	_ = 	snop  }
0x20d: {  	v14 =	vmul.f32 $8.000000000e+00, v14;
	_ =	sdelay $0x1  }
0x20e: {  	s16 =	sadd.s32 $0x1, s16;
	[tilespmem:v12+s20+$0x30 ss:$0x1] =	vst.idx.msk $0xffff, v14  }
.Ltmp10:
0x20f: {  	_ = 	snop;
	(pc) =	sbr.rel .LBB2_9-.Ltmp10, $1  }
0x210: {  	_ =	sdelay $0x3  }
.LBB2_12:
0x211: {  	_ =	sfence.sel $0x180000  }
0x212: {  	[bflag:$0x0] =	sbarrier.arrive $0xFFFF  }
0x213: {  	_ =	strace $0x90000047  }
0x214: {  	s0 =	stileid.u32;
	[bflag:$0x2] =	sbarrier.arrive $0xFFFF  }
0x215: {  	p0 =	sne.s32 s0, $0x0;
	s0 =	rddreg [dreg:$0x3]  }
0x216: {  	s0 =	sadd.s32 @!p0 $0x100000, s0  }
0x217: {  	[sflag:s0] =	ssyncadd.tile.s32 @!p0 $0x1;
	_ =	shalt  }
.Lfunc_end2:
_tile_overlayer_lowered:
.L_overlay_start_2:
0x218: {  	(tag) =	ssettag $0x2  }
0x219: {  	s0 =	rddreg [dreg:$0x0];
	s2 =	stileid.u32  }
0x21a: {  	s1 =	rddreg [dreg:$0x1];
	p0 =	sne.s32 s2, $0x0  }
0x21b: {  	s3 =	rddreg [dreg:$0x2];
	[bflag:$0x3] =	sbarrier.arrive $0xFFFF;
	s2 =	simm.s32 @!p0 $0x1C04  }
0x21c: {  	[timem:s3], [sflag:s2] =	dma.local @!p0 [hbm:s0], s1  }
0x21d: {  	s0 =	simm.s32 @!p0 $0x4  }
0x21e: {  	_ =	swait.ge @!p0 [sflag:s0], s1  }
0x21f: {  	s1 =	ssub.s32 @!p0 $0x0, s1;
	[sflag:s0] =	ssyncset.done @!p0 $0x0  }
0x220: {  	[sflag:s0] =	ssyncadd.s32 @!p0 s1  }
0x221: {  	[bflag:$0x3] =	sbarrier.arrive $0xFFFF  }
0x222: {  	_ =	shalt  }

</sc_bundles>
